<compile_context>
chip_gen: v7x
topology: tpu7x:2x2x1
jax: 0.10.2.dev20260603
libtpu: 0.0.44.dev20260713+nightly
codegen_flags: <defaults>
</compile_context>

<pallas_src>
import functools

import jax
import jax.numpy as jnp
from jax import lax
from jax.experimental import pallas as pl
from jax.experimental.pallas import tpu as pltpu
from jax.experimental.pallas import tpu_sc as plsc

SCALE = 8.0
NW = 32
LANES = 16
NBUF = 4
C = 128


def kernel(input, table):
    R, S = input.shape
    B = R * S
    V, D = table.shape
    BW = B // NW
    NCHUNK = BW // C

    idx = input.reshape(B // C, C)

    mesh = plsc.VectorSubcoreMesh(core_axis_name="c", subcore_axis_name="s")

    @functools.partial(
        pl.kernel,
        mesh=mesh,
        out_type=jax.ShapeDtypeStruct((B, 2 * D), jnp.float32),
        scratch_types=[
            pltpu.VMEM((NCHUNK, C), jnp.int32),
            [pltpu.VMEM((C, D), jnp.float32) for _ in range(NBUF)],
            [pltpu.SemaphoreType.DMA for _ in range(NBUF)],
            [pltpu.SemaphoreType.DMA for _ in range(NBUF)],
        ],
        compiler_params=pltpu.CompilerParams(use_tc_tiling_on_sc=False),
    )
    def emb(idx_hbm, table_hbm, out_hbm, idx_v, gbufs, gsems, ssems):
        wid = lax.axis_index("s") * 2 + lax.axis_index("c")
        base = wid * BW
        pltpu.sync_copy(idx_hbm.at[pl.ds(wid * NCHUNK, NCHUNK)], idx_v)

        def fire(c, t):
            pltpu.async_copy(table_hbm.at[idx_v.at[c]], gbufs[t], gsems[t])

        def gdrain(t):
            pltpu.make_async_copy(
                table_hbm.at[pl.ds(0, C)], gbufs[t], gsems[t]).wait()

        def sdrain(t):
            pltpu.make_async_copy(
                out_hbm.at[pl.ds(0, C), pl.ds(0, D)], gbufs[t],
                ssems[t]).wait()

        def process(t):
            def row_body(r, carry):
                for s in range(D // LANES):
                    sl = pl.ds(s * LANES, LANES)
                    gbufs[t][r, sl] = gbufs[t][r, sl] * SCALE
                return carry
            lax.fori_loop(0, C, row_body, 0)

        for t in range(NBUF - 1):
            fire(t, t)

        def body(i, carry):
            for t in range(NBUF):
                c = i * NBUF + t
                gdrain(t)
                process(t)
                pltpu.async_copy(
                    gbufs[t],
                    out_hbm.at[pl.ds(base + c * C, C), pl.ds(0, D)],
                    ssems[t])
                nt = (t + NBUF - 1) % NBUF
                nc = c + NBUF - 1

                @pl.when(jnp.logical_and(c >= 1, nc <= NCHUNK - 1))
                def _():
                    sdrain(nt)

                @pl.when(nc <= NCHUNK - 1)
                def _():
                    fire(nc, nt)
            return carry

        lax.fori_loop(0, NCHUNK // NBUF, body, 0)
        for t in range(NBUF):
            sdrain(t)

    out = emb(idx, table)
    return out[:, :D].reshape(R, S, D)

# --- scband reference (transcript-rebuilt; emitter-appended) ---
"""Pipeline reference for scband-embedding-layer-10445360464340 (READ-ONLY COPY).

The authoritative reference and input builder live on the scoring server;
editing this copy changes nothing except your own understanding.
"""

import math
import jax, jax.numpy as jnp
import numpy as np

VOCAB = 1000000
D_MODEL = 64

def setup_inputs(seed: int = 0) -> dict:
    key = jax.random.key(seed)
    k_idx, k_tab = jax.random.split(key)
    input = jax.random.randint(k_idx, (4096, 200), 0, VOCAB, dtype=jnp.int64 if jax.config.jax_enable_x64 else jnp.int32).astype(jnp.int32)
    table = jax.random.normal(k_tab, (VOCAB, D_MODEL), dtype=jnp.float32)
    return {"input": input, "table": table}

def reference(input, table):
    # EmbeddingLayer.forward: embedding lookup scaled by sqrt(d_model)
    res = jnp.take(table, input, axis=0) * math.sqrt(D_MODEL)
    return res

if __name__ == "__main__":
    import jax
    _d = setup_inputs()
    print(jax.jit(kernel)(*tuple(_d.values())))

</pallas_src>

<mosaic_0001>
#map = affine_map<(d0, d1) -> (0, 0)>
module attributes {stable_mosaic.version = 14 : i64} {
  func.func @emb(%arg0: i32, %arg1: i32, %arg2: memref<6400x128xi32, #tpu.memory_space<hbm>>, %arg3: memref<1000000x64xf32, #tpu.memory_space<hbm>>, %arg4: memref<819200x128xf32, #tpu.memory_space<hbm>>, %arg5: memref<200x128xi32, #tpu.memory_space<vmem>>, %arg6: memref<128x64xf32, #tpu.memory_space<vmem>>, %arg7: memref<128x64xf32, #tpu.memory_space<vmem>>, %arg8: memref<128x64xf32, #tpu.memory_space<vmem>>, %arg9: memref<128x64xf32, #tpu.memory_space<vmem>>, %arg10: memref<!tpu.dma_semaphore, #tpu.memory_space<semaphore_mem>>, %arg11: memref<!tpu.dma_semaphore, #tpu.memory_space<semaphore_mem>>, %arg12: memref<!tpu.dma_semaphore, #tpu.memory_space<semaphore_mem>>, %arg13: memref<!tpu.dma_semaphore, #tpu.memory_space<semaphore_mem>>, %arg14: memref<!tpu.dma_semaphore, #tpu.memory_space<semaphore_mem>>, %arg15: memref<!tpu.dma_semaphore, #tpu.memory_space<semaphore_mem>>, %arg16: memref<!tpu.dma_semaphore, #tpu.memory_space<semaphore_mem>>, %arg17: memref<!tpu.dma_semaphore, #tpu.memory_space<semaphore_mem>>) attributes {dimension_semantics = [#tpu.dimension_semantics<core_parallel>, #tpu.dimension_semantics<subcore_parallel>], iteration_bounds = array<i64: 2, 16>, scalar_prefetch = 0 : i64, scratch_operands = 13 : i64, tpu.core_type = #tpu.core_type<sc_vector_subcore>, window_params = [{transform_indices = #map}, {transform_indices = #map}, {transform_indices = #map}]} {
    %mul3A = arith.constant 2 : i32
    %mul3A_0 = arith.muli %arg1, %mul3A : i32
    %add3A = arith.addi %mul3A_0, %arg0 : i32
    %mul3A_1 = arith.constant 25600 : i32
    %mul3A_2 = arith.muli %add3A, %mul3A_1 : i32
    %mul3A_3 = arith.constant 200 : i32
    %mul3A_4 = arith.muli %add3A, %mul3A_3 : i32
    "tpu.region"() ({
      %run_scoped3A = tpu.sem_alloc : memref<!tpu.dma_semaphore, #tpu.memory_space<semaphore_mem>>
      %dma_start3A_53 = arith.constant 0 : i32
      %dma_start3A_54 = tpu.memref_slice %arg2[%mul3A_4, %dma_start3A_53] : memref<6400x128xi32, #tpu.memory_space<hbm>> -> memref<200x128xi32, #tpu.memory_space<hbm>>
      %dma_start3A_55 = arith.constant 0 : i32
      %dma_start3A_56 = tpu.memref_slice %arg2[%mul3A_4, %dma_start3A_55] : memref<6400x128xi32, #tpu.memory_space<hbm>> -> memref<200x128xi32, #tpu.memory_space<hbm>>
      tpu.enqueue_dma source(%dma_start3A_56 : memref<200x128xi32, #tpu.memory_space<hbm>>) target(%arg5 : memref<200x128xi32, #tpu.memory_space<vmem>>) target_semaphore(%run_scoped3A : memref<!tpu.dma_semaphore, #tpu.memory_space<semaphore_mem>>)
      %dma_wait3A_57 = arith.constant 0 : i32
      %dma_wait3A_58 = tpu.memref_slice %arg2[%mul3A_4, %dma_wait3A_57] : memref<6400x128xi32, #tpu.memory_space<hbm>> -> memref<200x128xi32, #tpu.memory_space<hbm>>
      %dma_wait3A_59 = arith.constant 0 : i32
      %dma_wait3A_60 = tpu.memref_slice %arg2[%mul3A_4, %dma_wait3A_59] : memref<6400x128xi32, #tpu.memory_space<hbm>> -> memref<200x128xi32, #tpu.memory_space<hbm>>
      tpu.wait_dma2 semaphore(%run_scoped3A : memref<!tpu.dma_semaphore, #tpu.memory_space<semaphore_mem>>) src(%dma_wait3A_60 : memref<200x128xi32, #tpu.memory_space<hbm>>) dst(%arg5 : memref<200x128xi32, #tpu.memory_space<vmem>>)
      tpu.yield
    }) : () -> ()
    %dma_start3A = arith.constant 0 : i32
    %dma_start3A_5 = arith.constant 0 : i32
    %dma_start3A_6 = tpu.memref_slice %arg5[%dma_start3A, %dma_start3A_5] : memref<200x128xi32, #tpu.memory_space<vmem>> -> memref<1x128xi32, #tpu.memory_space<vmem>>
    %dma_start3A_7 = tpu.memref_squeeze %dma_start3A_6 : memref<1x128xi32, #tpu.memory_space<vmem>> -> memref<128xi32, #tpu.memory_space<vmem>>
    %dma_start3A_8 = arith.constant 0 : i32
    %dma_start3A_9 = arith.constant 0 : i32
    %dma_start3A_10 = tpu.memref_slice %arg3[%dma_start3A_8, %dma_start3A_9] : memref<1000000x64xf32, #tpu.memory_space<hbm>> -> memref<1000000x64xf32, #tpu.memory_space<hbm>>
    tpu.enqueue_indirect_dma source(%dma_start3A_10 : memref<1000000x64xf32, #tpu.memory_space<hbm>>) target(%arg6 : memref<128x64xf32, #tpu.memory_space<vmem>>) offsets(%dma_start3A_7 : memref<128xi32, #tpu.memory_space<vmem>>) semaphore(%arg10 : memref<!tpu.dma_semaphore, #tpu.memory_space<semaphore_mem>>)
    %dma_start3A_11 = arith.constant 1 : i32
    %dma_start3A_12 = arith.constant 0 : i32
    %dma_start3A_13 = tpu.memref_slice %arg5[%dma_start3A_11, %dma_start3A_12] : memref<200x128xi32, #tpu.memory_space<vmem>> -> memref<1x128xi32, #tpu.memory_space<vmem>>
    %dma_start3A_14 = tpu.memref_squeeze %dma_start3A_13 : memref<1x128xi32, #tpu.memory_space<vmem>> -> memref<128xi32, #tpu.memory_space<vmem>>
    %dma_start3A_15 = arith.constant 0 : i32
    %dma_start3A_16 = arith.constant 0 : i32
    %dma_start3A_17 = tpu.memref_slice %arg3[%dma_start3A_15, %dma_start3A_16] : memref<1000000x64xf32, #tpu.memory_space<hbm>> -> memref<1000000x64xf32, #tpu.memory_space<hbm>>
    tpu.enqueue_indirect_dma source(%dma_start3A_17 : memref<1000000x64xf32, #tpu.memory_space<hbm>>) target(%arg7 : memref<128x64xf32, #tpu.memory_space<vmem>>) offsets(%dma_start3A_14 : memref<128xi32, #tpu.memory_space<vmem>>) semaphore(%arg11 : memref<!tpu.dma_semaphore, #tpu.memory_space<semaphore_mem>>)
    %dma_start3A_18 = arith.constant 2 : i32
    %dma_start3A_19 = arith.constant 0 : i32
    %dma_start3A_20 = tpu.memref_slice %arg5[%dma_start3A_18, %dma_start3A_19] : memref<200x128xi32, #tpu.memory_space<vmem>> -> memref<1x128xi32, #tpu.memory_space<vmem>>
    %dma_start3A_21 = tpu.memref_squeeze %dma_start3A_20 : memref<1x128xi32, #tpu.memory_space<vmem>> -> memref<128xi32, #tpu.memory_space<vmem>>
    %dma_start3A_22 = arith.constant 0 : i32
    %dma_start3A_23 = arith.constant 0 : i32
    %dma_start3A_24 = tpu.memref_slice %arg3[%dma_start3A_22, %dma_start3A_23] : memref<1000000x64xf32, #tpu.memory_space<hbm>> -> memref<1000000x64xf32, #tpu.memory_space<hbm>>
    tpu.enqueue_indirect_dma source(%dma_start3A_24 : memref<1000000x64xf32, #tpu.memory_space<hbm>>) target(%arg8 : memref<128x64xf32, #tpu.memory_space<vmem>>) offsets(%dma_start3A_21 : memref<128xi32, #tpu.memory_space<vmem>>) semaphore(%arg12 : memref<!tpu.dma_semaphore, #tpu.memory_space<semaphore_mem>>)
    %scan3A = arith.constant 0 : i32
    %scan3A_25 = arith.constant 0 : i32
    %scan3A_26 = arith.constant 50 : i32
    %scan3A_27 = arith.addi %scan3A_25, %scan3A_26 : i32
    %scan3A_28 = arith.constant 1 : i32
    scf.for %scan3A_53 = %scan3A_25 to %scan3A_27 step %scan3A_28  : i32 {
      %mul3A_54 = arith.constant 4 : i32
      %mul3A_55 = arith.muli %scan3A_53, %mul3A_54 : i32
      %add3A_56 = arith.constant 0 : i32
      %add3A_57 = arith.addi %mul3A_55, %add3A_56 : i32
      %dma_wait3A_58 = arith.constant 0 : i32
      %dma_wait3A_59 = arith.constant 0 : i32
      %dma_wait3A_60 = tpu.memref_slice %arg3[%dma_wait3A_58, %dma_wait3A_59] : memref<1000000x64xf32, #tpu.memory_space<hbm>> -> memref<128x64xf32, #tpu.memory_space<hbm>>
      %dma_wait3A_61 = arith.constant 0 : i32
      %dma_wait3A_62 = arith.constant 0 : i32
      %dma_wait3A_63 = tpu.memref_slice %arg3[%dma_wait3A_61, %dma_wait3A_62] : memref<1000000x64xf32, #tpu.memory_space<hbm>> -> memref<128x64xf32, #tpu.memory_space<hbm>>
      tpu.wait_dma2 semaphore(%arg10 : memref<!tpu.dma_semaphore, #tpu.memory_space<semaphore_mem>>) src(%dma_wait3A_63 : memref<128x64xf32, #tpu.memory_space<hbm>>) dst(%arg6 : memref<128x64xf32, #tpu.memory_space<vmem>>)
      %scan3A_64 = arith.constant 0 : i32
      %scan3A_65 = arith.constant 0 : i32
      %scan3A_66 = arith.constant 128 : i32
      %scan3A_67 = arith.addi %scan3A_65, %scan3A_66 : i32
      %scan3A_68 = arith.constant 1 : i32
      scf.for %scan3A_208 = %scan3A_65 to %scan3A_67 step %scan3A_68  : i32 {
        %get3A = arith.index_cast %scan3A_208 : i32 to index
        %get3A_209 = arith.constant 0 : index
        %get3A_210 = tpu.vector_load %arg6[%get3A, %get3A_209] {strides = array<i32>} : memref<128x64xf32, #tpu.memory_space<vmem>>, vector<1x16xf32>,
        %get3A_211 = vector.shape_cast %get3A_210 : vector<1x16xf32> to vector<16xf32>
        %mul3A_212 = arith.constant 8.000000e+00 : f32
        %mul3A_213 = vector.broadcast %mul3A_212 : f32 to vector<16xf32>
        %mul3A_214 = arith.mulf %get3A_211, %mul3A_213 : vector<16xf32>
        %swap3A = arith.index_cast %scan3A_208 : i32 to index
        %swap3A_215 = arith.constant 0 : index
        %swap3A_216 = tpu.vector_load %arg6[%swap3A, %swap3A_215] {strides = array<i32>} : memref<128x64xf32, #tpu.memory_space<vmem>>, vector<1x16xf32>,
        %swap3A_217 = vector.shape_cast %swap3A_216 : vector<1x16xf32> to vector<16xf32>
        %swap3A_218 = vector.shape_cast %mul3A_214 : vector<16xf32> to vector<1x16xf32>
        tpu.vector_store %arg6[%swap3A, %swap3A_215], %swap3A_218 {strides = array<i32>} : memref<128x64xf32, #tpu.memory_space<vmem>>, vector<1x16xf32>,
        %get3A_219 = arith.index_cast %scan3A_208 : i32 to index
        %get3A_220 = arith.constant 16 : index
        %get3A_221 = tpu.vector_load %arg6[%get3A_219, %get3A_220] {strides = array<i32>} : memref<128x64xf32, #tpu.memory_space<vmem>>, vector<1x16xf32>,
        %get3A_222 = vector.shape_cast %get3A_221 : vector<1x16xf32> to vector<16xf32>
        %mul3A_223 = arith.constant 8.000000e+00 : f32
        %mul3A_224 = vector.broadcast %mul3A_223 : f32 to vector<16xf32>
        %mul3A_225 = arith.mulf %get3A_222, %mul3A_224 : vector<16xf32>
        %swap3A_226 = arith.index_cast %scan3A_208 : i32 to index
        %swap3A_227 = arith.constant 16 : index
        %swap3A_228 = tpu.vector_load %arg6[%swap3A_226, %swap3A_227] {strides = array<i32>} : memref<128x64xf32, #tpu.memory_space<vmem>>, vector<1x16xf32>,
        %swap3A_229 = vector.shape_cast %swap3A_228 : vector<1x16xf32> to vector<16xf32>
        %swap3A_230 = vector.shape_cast %mul3A_225 : vector<16xf32> to vector<1x16xf32>
        tpu.vector_store %arg6[%swap3A_226, %swap3A_227], %swap3A_230 {strides = array<i32>} : memref<128x64xf32, #tpu.memory_space<vmem>>, vector<1x16xf32>,
        %get3A_231 = arith.index_cast %scan3A_208 : i32 to index
        %get3A_232 = arith.constant 32 : index
        %get3A_233 = tpu.vector_load %arg6[%get3A_231, %get3A_232] {strides = array<i32>} : memref<128x64xf32, #tpu.memory_space<vmem>>, vector<1x16xf32>,
        %get3A_234 = vector.shape_cast %get3A_233 : vector<1x16xf32> to vector<16xf32>
        %mul3A_235 = arith.constant 8.000000e+00 : f32
        %mul3A_236 = vector.broadcast %mul3A_235 : f32 to vector<16xf32>
        %mul3A_237 = arith.mulf %get3A_234, %mul3A_236 : vector<16xf32>
        %swap3A_238 = arith.index_cast %scan3A_208 : i32 to index
        %swap3A_239 = arith.constant 32 : index
        %swap3A_240 = tpu.vector_load %arg6[%swap3A_238, %swap3A_239] {strides = array<i32>} : memref<128x64xf32, #tpu.memory_space<vmem>>, vector<1x16xf32>,
        %swap3A_241 = vector.shape_cast %swap3A_240 : vector<1x16xf32> to vector<16xf32>
        %swap3A_242 = vector.shape_cast %mul3A_237 : vector<16xf32> to vector<1x16xf32>
        tpu.vector_store %arg6[%swap3A_238, %swap3A_239], %swap3A_242 {strides = array<i32>} : memref<128x64xf32, #tpu.memory_space<vmem>>, vector<1x16xf32>,
        %get3A_243 = arith.index_cast %scan3A_208 : i32 to index
        %get3A_244 = arith.constant 48 : index
        %get3A_245 = tpu.vector_load %arg6[%get3A_243, %get3A_244] {strides = array<i32>} : memref<128x64xf32, #tpu.memory_space<vmem>>, vector<1x16xf32>,
        %get3A_246 = vector.shape_cast %get3A_245 : vector<1x16xf32> to vector<16xf32>
        %mul3A_247 = arith.constant 8.000000e+00 : f32
        %mul3A_248 = vector.broadcast %mul3A_247 : f32 to vector<16xf32>
        %mul3A_249 = arith.mulf %get3A_246, %mul3A_248 : vector<16xf32>
        %swap3A_250 = arith.index_cast %scan3A_208 : i32 to index
        %swap3A_251 = arith.constant 48 : index
        %swap3A_252 = tpu.vector_load %arg6[%swap3A_250, %swap3A_251] {strides = array<i32>} : memref<128x64xf32, #tpu.memory_space<vmem>>, vector<1x16xf32>,
        %swap3A_253 = vector.shape_cast %swap3A_252 : vector<1x16xf32> to vector<16xf32>
        %swap3A_254 = vector.shape_cast %mul3A_249 : vector<16xf32> to vector<1x16xf32>
        tpu.vector_store %arg6[%swap3A_250, %swap3A_251], %swap3A_254 {strides = array<i32>} : memref<128x64xf32, #tpu.memory_space<vmem>>, vector<1x16xf32>,
      }
      %scan3A_69 = arith.constant 128 : i32
      %mul3A_70 = arith.constant 128 : i32
      %mul3A_71 = arith.muli %add3A_57, %mul3A_70 : i32
      %add3A_72 = arith.addi %mul3A_2, %mul3A_71 : i32
      %dma_start3A_73 = arith.constant 0 : i32
      %dma_start3A_74 = tpu.memref_slice %arg4[%add3A_72, %dma_start3A_73] : memref<819200x128xf32, #tpu.memory_space<hbm>> -> memref<128x64xf32, #tpu.memory_space<hbm>>
      %dma_start3A_75 = arith.constant 0 : i32
      %dma_start3A_76 = tpu.memref_slice %arg4[%add3A_72, %dma_start3A_75] : memref<819200x128xf32, #tpu.memory_space<hbm>> -> memref<128x64xf32, #tpu.memory_space<hbm>>
      tpu.enqueue_dma source(%arg6 : memref<128x64xf32, #tpu.memory_space<vmem>>) target(%dma_start3A_76 : memref<128x64xf32, #tpu.memory_space<hbm>>) target_semaphore(%arg14 : memref<!tpu.dma_semaphore, #tpu.memory_space<semaphore_mem>>)
      %add3A_77 = arith.constant 4 : i32
      %add3A_78 = arith.addi %add3A_57, %add3A_77 : i32
      %sub3A = arith.constant 1 : i32
      %sub3A_79 = arith.subi %add3A_78, %sub3A : i32
      %ge3A = arith.constant 1 : i32
      %ge3A_80 = arith.cmpi sge, %add3A_57, %ge3A : i32
      %le3A = arith.constant 199 : i32
      %le3A_81 = arith.cmpi sle, %sub3A_79, %le3A : i32
      %and3A = arith.andi %ge3A_80, %le3A_81 : i1
      %convert_element_type3A = arith.extui %and3A : i1 to i32
      %cond3A = arith.constant 0 : i32
      %cond3A_82 = arith.cmpi ne, %convert_element_type3A, %cond3A : i32
      scf.if %cond3A_82 {
        %dma_wait3A_208 = arith.constant 0 : i32
        %dma_wait3A_209 = arith.constant 0 : i32
        %dma_wait3A_210 = tpu.memref_slice %arg4[%dma_wait3A_208, %dma_wait3A_209] : memref<819200x128xf32, #tpu.memory_space<hbm>> -> memref<128x64xf32, #tpu.memory_space<hbm>>
        %dma_wait3A_211 = arith.constant 0 : i32
        %dma_wait3A_212 = arith.constant 0 : i32
        %dma_wait3A_213 = tpu.memref_slice %arg4[%dma_wait3A_211, %dma_wait3A_212] : memref<819200x128xf32, #tpu.memory_space<hbm>> -> memref<128x64xf32, #tpu.memory_space<hbm>>
        tpu.wait_dma2 semaphore(%arg17 : memref<!tpu.dma_semaphore, #tpu.memory_space<semaphore_mem>>) src(%dma_wait3A_213 : memref<128x64xf32, #tpu.memory_space<hbm>>) dst(%arg9 : memref<128x64xf32, #tpu.memory_space<vmem>>)
      } else {
      }
      %le3A_83 = arith.constant 199 : i32
      %le3A_84 = arith.cmpi sle, %sub3A_79, %le3A_83 : i32
      %convert_element_type3A_85 = arith.extui %le3A_84 : i1 to i32
      %cond3A_86 = arith.constant 0 : i32
      %cond3A_87 = arith.cmpi ne, %convert_element_type3A_85, %cond3A_86 : i32
      scf.if %cond3A_87 {
        %dma_start3A_208 = arith.constant 0 : i32
        %dma_start3A_209 = tpu.memref_slice %arg5[%sub3A_79, %dma_start3A_208] : memref<200x128xi32, #tpu.memory_space<vmem>> -> memref<1x128xi32, #tpu.memory_space<vmem>>
        %dma_start3A_210 = tpu.memref_squeeze %dma_start3A_209 : memref<1x128xi32, #tpu.memory_space<vmem>> -> memref<128xi32, #tpu.memory_space<vmem>>
        %dma_start3A_211 = arith.constant 0 : i32
        %dma_start3A_212 = arith.constant 0 : i32
        %dma_start3A_213 = tpu.memref_slice %arg3[%dma_start3A_211, %dma_start3A_212] : memref<1000000x64xf32, #tpu.memory_space<hbm>> -> memref<1000000x64xf32, #tpu.memory_space<hbm>>
        tpu.enqueue_indirect_dma source(%dma_start3A_213 : memref<1000000x64xf32, #tpu.memory_space<hbm>>) target(%arg9 : memref<128x64xf32, #tpu.memory_space<vmem>>) offsets(%dma_start3A_210 : memref<128xi32, #tpu.memory_space<vmem>>) semaphore(%arg13 : memref<!tpu.dma_semaphore, #tpu.memory_space<semaphore_mem>>)
      } else {
      }
      %mul3A_88 = arith.constant 4 : i32
      %mul3A_89 = arith.muli %scan3A_53, %mul3A_88 : i32
      %add3A_90 = arith.constant 1 : i32
      %add3A_91 = arith.addi %mul3A_89, %add3A_90 : i32
      %dma_wait3A_92 = arith.constant 0 : i32
      %dma_wait3A_93 = arith.constant 0 : i32
      %dma_wait3A_94 = tpu.memref_slice %arg3[%dma_wait3A_92, %dma_wait3A_93] : memref<1000000x64xf32, #tpu.memory_space<hbm>> -> memref<128x64xf32, #tpu.memory_space<hbm>>
      %dma_wait3A_95 = arith.constant 0 : i32
      %dma_wait3A_96 = arith.constant 0 : i32
      %dma_wait3A_97 = tpu.memref_slice %arg3[%dma_wait3A_95, %dma_wait3A_96] : memref<1000000x64xf32, #tpu.memory_space<hbm>> -> memref<128x64xf32, #tpu.memory_space<hbm>>
      tpu.wait_dma2 semaphore(%arg11 : memref<!tpu.dma_semaphore, #tpu.memory_space<semaphore_mem>>) src(%dma_wait3A_97 : memref<128x64xf32, #tpu.memory_space<hbm>>) dst(%arg7 : memref<128x64xf32, #tpu.memory_space<vmem>>)
      %scan3A_98 = arith.constant 0 : i32
      %scan3A_99 = arith.constant 0 : i32
      %scan3A_100 = arith.constant 128 : i32
      %scan3A_101 = arith.addi %scan3A_99, %scan3A_100 : i32
      %scan3A_102 = arith.constant 1 : i32
      scf.for %scan3A_208 = %scan3A_99 to %scan3A_101 step %scan3A_102  : i32 {
        %get3A = arith.index_cast %scan3A_208 : i32 to index
        %get3A_209 = arith.constant 0 : index
        %get3A_210 = tpu.vector_load %arg7[%get3A, %get3A_209] {strides = array<i32>} : memref<128x64xf32, #tpu.memory_space<vmem>>, vector<1x16xf32>,
        %get3A_211 = vector.shape_cast %get3A_210 : vector<1x16xf32> to vector<16xf32>
        %mul3A_212 = arith.constant 8.000000e+00 : f32
        %mul3A_213 = vector.broadcast %mul3A_212 : f32 to vector<16xf32>
        %mul3A_214 = arith.mulf %get3A_211, %mul3A_213 : vector<16xf32>
        %swap3A = arith.index_cast %scan3A_208 : i32 to index
        %swap3A_215 = arith.constant 0 : index
        %swap3A_216 = tpu.vector_load %arg7[%swap3A, %swap3A_215] {strides = array<i32>} : memref<128x64xf32, #tpu.memory_space<vmem>>, vector<1x16xf32>,
        %swap3A_217 = vector.shape_cast %swap3A_216 : vector<1x16xf32> to vector<16xf32>
        %swap3A_218 = vector.shape_cast %mul3A_214 : vector<16xf32> to vector<1x16xf32>
        tpu.vector_store %arg7[%swap3A, %swap3A_215], %swap3A_218 {strides = array<i32>} : memref<128x64xf32, #tpu.memory_space<vmem>>, vector<1x16xf32>,
        %get3A_219 = arith.index_cast %scan3A_208 : i32 to index
        %get3A_220 = arith.constant 16 : index
        %get3A_221 = tpu.vector_load %arg7[%get3A_219, %get3A_220] {strides = array<i32>} : memref<128x64xf32, #tpu.memory_space<vmem>>, vector<1x16xf32>,
        %get3A_222 = vector.shape_cast %get3A_221 : vector<1x16xf32> to vector<16xf32>
        %mul3A_223 = arith.constant 8.000000e+00 : f32
        %mul3A_224 = vector.broadcast %mul3A_223 : f32 to vector<16xf32>
        %mul3A_225 = arith.mulf %get3A_222, %mul3A_224 : vector<16xf32>
        %swap3A_226 = arith.index_cast %scan3A_208 : i32 to index
        %swap3A_227 = arith.constant 16 : index
        %swap3A_228 = tpu.vector_load %arg7[%swap3A_226, %swap3A_227] {strides = array<i32>} : memref<128x64xf32, #tpu.memory_space<vmem>>, vector<1x16xf32>,
        %swap3A_229 = vector.shape_cast %swap3A_228 : vector<1x16xf32> to vector<16xf32>
        %swap3A_230 = vector.shape_cast %mul3A_225 : vector<16xf32> to vector<1x16xf32>
        tpu.vector_store %arg7[%swap3A_226, %swap3A_227], %swap3A_230 {strides = array<i32>} : memref<128x64xf32, #tpu.memory_space<vmem>>, vector<1x16xf32>,
        %get3A_231 = arith.index_cast %scan3A_208 : i32 to index
        %get3A_232 = arith.constant 32 : index
        %get3A_233 = tpu.vector_load %arg7[%get3A_231, %get3A_232] {strides = array<i32>} : memref<128x64xf32, #tpu.memory_space<vmem>>, vector<1x16xf32>,
        %get3A_234 = vector.shape_cast %get3A_233 : vector<1x16xf32> to vector<16xf32>
        %mul3A_235 = arith.constant 8.000000e+00 : f32
        %mul3A_236 = vector.broadcast %mul3A_235 : f32 to vector<16xf32>
        %mul3A_237 = arith.mulf %get3A_234, %mul3A_236 : vector<16xf32>
        %swap3A_238 = arith.index_cast %scan3A_208 : i32 to index
        %swap3A_239 = arith.constant 32 : index
        %swap3A_240 = tpu.vector_load %arg7[%swap3A_238, %swap3A_239] {strides = array<i32>} : memref<128x64xf32, #tpu.memory_space<vmem>>, vector<1x16xf32>,
        %swap3A_241 = vector.shape_cast %swap3A_240 : vector<1x16xf32> to vector<16xf32>
        %swap3A_242 = vector.shape_cast %mul3A_237 : vector<16xf32> to vector<1x16xf32>
        tpu.vector_store %arg7[%swap3A_238, %swap3A_239], %swap3A_242 {strides = array<i32>} : memref<128x64xf32, #tpu.memory_space<vmem>>, vector<1x16xf32>,
        %get3A_243 = arith.index_cast %scan3A_208 : i32 to index
        %get3A_244 = arith.constant 48 : index
        %get3A_245 = tpu.vector_load %arg7[%get3A_243, %get3A_244] {strides = array<i32>} : memref<128x64xf32, #tpu.memory_space<vmem>>, vector<1x16xf32>,
        %get3A_246 = vector.shape_cast %get3A_245 : vector<1x16xf32> to vector<16xf32>
        %mul3A_247 = arith.constant 8.000000e+00 : f32
        %mul3A_248 = vector.broadcast %mul3A_247 : f32 to vector<16xf32>
        %mul3A_249 = arith.mulf %get3A_246, %mul3A_248 : vector<16xf32>
        %swap3A_250 = arith.index_cast %scan3A_208 : i32 to index
        %swap3A_251 = arith.constant 48 : index
        %swap3A_252 = tpu.vector_load %arg7[%swap3A_250, %swap3A_251] {strides = array<i32>} : memref<128x64xf32, #tpu.memory_space<vmem>>, vector<1x16xf32>,
        %swap3A_253 = vector.shape_cast %swap3A_252 : vector<1x16xf32> to vector<16xf32>
        %swap3A_254 = vector.shape_cast %mul3A_249 : vector<16xf32> to vector<1x16xf32>
        tpu.vector_store %arg7[%swap3A_250, %swap3A_251], %swap3A_254 {strides = array<i32>} : memref<128x64xf32, #tpu.memory_space<vmem>>, vector<1x16xf32>,
      }
      %scan3A_103 = arith.constant 128 : i32
      %mul3A_104 = arith.constant 128 : i32
      %mul3A_105 = arith.muli %add3A_91, %mul3A_104 : i32
      %add3A_106 = arith.addi %mul3A_2, %mul3A_105 : i32
      %dma_start3A_107 = arith.constant 0 : i32
      %dma_start3A_108 = tpu.memref_slice %arg4[%add3A_106, %dma_start3A_107] : memref<819200x128xf32, #tpu.memory_space<hbm>> -> memref<128x64xf32, #tpu.memory_space<hbm>>
      %dma_start3A_109 = arith.constant 0 : i32
      %dma_start3A_110 = tpu.memref_slice %arg4[%add3A_106, %dma_start3A_109] : memref<819200x128xf32, #tpu.memory_space<hbm>> -> memref<128x64xf32, #tpu.memory_space<hbm>>
      tpu.enqueue_dma source(%arg7 : memref<128x64xf32, #tpu.memory_space<vmem>>) target(%dma_start3A_110 : memref<128x64xf32, #tpu.memory_space<hbm>>) target_semaphore(%arg15 : memref<!tpu.dma_semaphore, #tpu.memory_space<semaphore_mem>>)
      %add3A_111 = arith.constant 4 : i32
      %add3A_112 = arith.addi %add3A_91, %add3A_111 : i32
      %sub3A_113 = arith.constant 1 : i32
      %sub3A_114 = arith.subi %add3A_112, %sub3A_113 : i32
      %ge3A_115 = arith.constant 1 : i32
      %ge3A_116 = arith.cmpi sge, %add3A_91, %ge3A_115 : i32
      %le3A_117 = arith.constant 199 : i32
      %le3A_118 = arith.cmpi sle, %sub3A_114, %le3A_117 : i32
      %and3A_119 = arith.andi %ge3A_116, %le3A_118 : i1
      %convert_element_type3A_120 = arith.extui %and3A_119 : i1 to i32
      %cond3A_121 = arith.constant 0 : i32
      %cond3A_122 = arith.cmpi ne, %convert_element_type3A_120, %cond3A_121 : i32
      scf.if %cond3A_122 {
        %dma_wait3A_208 = arith.constant 0 : i32
        %dma_wait3A_209 = arith.constant 0 : i32
        %dma_wait3A_210 = tpu.memref_slice %arg4[%dma_wait3A_208, %dma_wait3A_209] : memref<819200x128xf32, #tpu.memory_space<hbm>> -> memref<128x64xf32, #tpu.memory_space<hbm>>
        %dma_wait3A_211 = arith.constant 0 : i32
        %dma_wait3A_212 = arith.constant 0 : i32
        %dma_wait3A_213 = tpu.memref_slice %arg4[%dma_wait3A_211, %dma_wait3A_212] : memref<819200x128xf32, #tpu.memory_space<hbm>> -> memref<128x64xf32, #tpu.memory_space<hbm>>
        tpu.wait_dma2 semaphore(%arg14 : memref<!tpu.dma_semaphore, #tpu.memory_space<semaphore_mem>>) src(%dma_wait3A_213 : memref<128x64xf32, #tpu.memory_space<hbm>>) dst(%arg6 : memref<128x64xf32, #tpu.memory_space<vmem>>)
      } else {
      }
      %le3A_123 = arith.constant 199 : i32
      %le3A_124 = arith.cmpi sle, %sub3A_114, %le3A_123 : i32
      %convert_element_type3A_125 = arith.extui %le3A_124 : i1 to i32
      %cond3A_126 = arith.constant 0 : i32
      %cond3A_127 = arith.cmpi ne, %convert_element_type3A_125, %cond3A_126 : i32
      scf.if %cond3A_127 {
        %dma_start3A_208 = arith.constant 0 : i32
        %dma_start3A_209 = tpu.memref_slice %arg5[%sub3A_114, %dma_start3A_208] : memref<200x128xi32, #tpu.memory_space<vmem>> -> memref<1x128xi32, #tpu.memory_space<vmem>>
        %dma_start3A_210 = tpu.memref_squeeze %dma_start3A_209 : memref<1x128xi32, #tpu.memory_space<vmem>> -> memref<128xi32, #tpu.memory_space<vmem>>
        %dma_start3A_211 = arith.constant 0 : i32
        %dma_start3A_212 = arith.constant 0 : i32
        %dma_start3A_213 = tpu.memref_slice %arg3[%dma_start3A_211, %dma_start3A_212] : memref<1000000x64xf32, #tpu.memory_space<hbm>> -> memref<1000000x64xf32, #tpu.memory_space<hbm>>
        tpu.enqueue_indirect_dma source(%dma_start3A_213 : memref<1000000x64xf32, #tpu.memory_space<hbm>>) target(%arg6 : memref<128x64xf32, #tpu.memory_space<vmem>>) offsets(%dma_start3A_210 : memref<128xi32, #tpu.memory_space<vmem>>) semaphore(%arg10 : memref<!tpu.dma_semaphore, #tpu.memory_space<semaphore_mem>>)
      } else {
      }
      %mul3A_128 = arith.constant 4 : i32
      %mul3A_129 = arith.muli %scan3A_53, %mul3A_128 : i32
      %add3A_130 = arith.constant 2 : i32
      %add3A_131 = arith.addi %mul3A_129, %add3A_130 : i32
      %dma_wait3A_132 = arith.constant 0 : i32
      %dma_wait3A_133 = arith.constant 0 : i32
      %dma_wait3A_134 = tpu.memref_slice %arg3[%dma_wait3A_132, %dma_wait3A_133] : memref<1000000x64xf32, #tpu.memory_space<hbm>> -> memref<128x64xf32, #tpu.memory_space<hbm>>
      %dma_wait3A_135 = arith.constant 0 : i32
      %dma_wait3A_136 = arith.constant 0 : i32
      %dma_wait3A_137 = tpu.memref_slice %arg3[%dma_wait3A_135, %dma_wait3A_136] : memref<1000000x64xf32, #tpu.memory_space<hbm>> -> memref<128x64xf32, #tpu.memory_space<hbm>>
      tpu.wait_dma2 semaphore(%arg12 : memref<!tpu.dma_semaphore, #tpu.memory_space<semaphore_mem>>) src(%dma_wait3A_137 : memref<128x64xf32, #tpu.memory_space<hbm>>) dst(%arg8 : memref<128x64xf32, #tpu.memory_space<vmem>>)
      %scan3A_138 = arith.constant 0 : i32
      %scan3A_139 = arith.constant 0 : i32
      %scan3A_140 = arith.constant 128 : i32
      %scan3A_141 = arith.addi %scan3A_139, %scan3A_140 : i32
      %scan3A_142 = arith.constant 1 : i32
      scf.for %scan3A_208 = %scan3A_139 to %scan3A_141 step %scan3A_142  : i32 {
        %get3A = arith.index_cast %scan3A_208 : i32 to index
        %get3A_209 = arith.constant 0 : index
        %get3A_210 = tpu.vector_load %arg8[%get3A, %get3A_209] {strides = array<i32>} : memref<128x64xf32, #tpu.memory_space<vmem>>, vector<1x16xf32>,
        %get3A_211 = vector.shape_cast %get3A_210 : vector<1x16xf32> to vector<16xf32>
        %mul3A_212 = arith.constant 8.000000e+00 : f32
        %mul3A_213 = vector.broadcast %mul3A_212 : f32 to vector<16xf32>
        %mul3A_214 = arith.mulf %get3A_211, %mul3A_213 : vector<16xf32>
        %swap3A = arith.index_cast %scan3A_208 : i32 to index
        %swap3A_215 = arith.constant 0 : index
        %swap3A_216 = tpu.vector_load %arg8[%swap3A, %swap3A_215] {strides = array<i32>} : memref<128x64xf32, #tpu.memory_space<vmem>>, vector<1x16xf32>,
        %swap3A_217 = vector.shape_cast %swap3A_216 : vector<1x16xf32> to vector<16xf32>
        %swap3A_218 = vector.shape_cast %mul3A_214 : vector<16xf32> to vector<1x16xf32>
        tpu.vector_store %arg8[%swap3A, %swap3A_215], %swap3A_218 {strides = array<i32>} : memref<128x64xf32, #tpu.memory_space<vmem>>, vector<1x16xf32>,
        %get3A_219 = arith.index_cast %scan3A_208 : i32 to index
        %get3A_220 = arith.constant 16 : index
        %get3A_221 = tpu.vector_load %arg8[%get3A_219, %get3A_220] {strides = array<i32>} : memref<128x64xf32, #tpu.memory_space<vmem>>, vector<1x16xf32>,
        %get3A_222 = vector.shape_cast %get3A_221 : vector<1x16xf32> to vector<16xf32>
        %mul3A_223 = arith.constant 8.000000e+00 : f32
        %mul3A_224 = vector.broadcast %mul3A_223 : f32 to vector<16xf32>
        %mul3A_225 = arith.mulf %get3A_222, %mul3A_224 : vector<16xf32>
        %swap3A_226 = arith.index_cast %scan3A_208 : i32 to index
        %swap3A_227 = arith.constant 16 : index
        %swap3A_228 = tpu.vector_load %arg8[%swap3A_226, %swap3A_227] {strides = array<i32>} : memref<128x64xf32, #tpu.memory_space<vmem>>, vector<1x16xf32>,
        %swap3A_229 = vector.shape_cast %swap3A_228 : vector<1x16xf32> to vector<16xf32>
        %swap3A_230 = vector.shape_cast %mul3A_225 : vector<16xf32> to vector<1x16xf32>
        tpu.vector_store %arg8[%swap3A_226, %swap3A_227], %swap3A_230 {strides = array<i32>} : memref<128x64xf32, #tpu.memory_space<vmem>>, vector<1x16xf32>,
        %get3A_231 = arith.index_cast %scan3A_208 : i32 to index
        %get3A_232 = arith.constant 32 : index
        %get3A_233 = tpu.vector_load %arg8[%get3A_231, %get3A_232] {strides = array<i32>} : memref<128x64xf32, #tpu.memory_space<vmem>>, vector<1x16xf32>,
        %get3A_234 = vector.shape_cast %get3A_233 : vector<1x16xf32> to vector<16xf32>
        %mul3A_235 = arith.constant 8.000000e+00 : f32
        %mul3A_236 = vector.broadcast %mul3A_235 : f32 to vector<16xf32>
        %mul3A_237 = arith.mulf %get3A_234, %mul3A_236 : vector<16xf32>
        %swap3A_238 = arith.index_cast %scan3A_208 : i32 to index
        %swap3A_239 = arith.constant 32 : index
        %swap3A_240 = tpu.vector_load %arg8[%swap3A_238, %swap3A_239] {strides = array<i32>} : memref<128x64xf32, #tpu.memory_space<vmem>>, vector<1x16xf32>,
        %swap3A_241 = vector.shape_cast %swap3A_240 : vector<1x16xf32> to vector<16xf32>
        %swap3A_242 = vector.shape_cast %mul3A_237 : vector<16xf32> to vector<1x16xf32>
        tpu.vector_store %arg8[%swap3A_238, %swap3A_239], %swap3A_242 {strides = array<i32>} : memref<128x64xf32, #tpu.memory_space<vmem>>, vector<1x16xf32>,
        %get3A_243 = arith.index_cast %scan3A_208 : i32 to index
        %get3A_244 = arith.constant 48 : index
        %get3A_245 = tpu.vector_load %arg8[%get3A_243, %get3A_244] {strides = array<i32>} : memref<128x64xf32, #tpu.memory_space<vmem>>, vector<1x16xf32>,
        %get3A_246 = vector.shape_cast %get3A_245 : vector<1x16xf32> to vector<16xf32>
        %mul3A_247 = arith.constant 8.000000e+00 : f32
        %mul3A_248 = vector.broadcast %mul3A_247 : f32 to vector<16xf32>
        %mul3A_249 = arith.mulf %get3A_246, %mul3A_248 : vector<16xf32>
        %swap3A_250 = arith.index_cast %scan3A_208 : i32 to index
        %swap3A_251 = arith.constant 48 : index
        %swap3A_252 = tpu.vector_load %arg8[%swap3A_250, %swap3A_251] {strides = array<i32>} : memref<128x64xf32, #tpu.memory_space<vmem>>, vector<1x16xf32>,
        %swap3A_253 = vector.shape_cast %swap3A_252 : vector<1x16xf32> to vector<16xf32>
        %swap3A_254 = vector.shape_cast %mul3A_249 : vector<16xf32> to vector<1x16xf32>
        tpu.vector_store %arg8[%swap3A_250, %swap3A_251], %swap3A_254 {strides = array<i32>} : memref<128x64xf32, #tpu.memory_space<vmem>>, vector<1x16xf32>,
      }
      %scan3A_143 = arith.constant 128 : i32
      %mul3A_144 = arith.constant 128 : i32
      %mul3A_145 = arith.muli %add3A_131, %mul3A_144 : i32
      %add3A_146 = arith.addi %mul3A_2, %mul3A_145 : i32
      %dma_start3A_147 = arith.constant 0 : i32
      %dma_start3A_148 = tpu.memref_slice %arg4[%add3A_146, %dma_start3A_147] : memref<819200x128xf32, #tpu.memory_space<hbm>> -> memref<128x64xf32, #tpu.memory_space<hbm>>
      %dma_start3A_149 = arith.constant 0 : i32
      %dma_start3A_150 = tpu.memref_slice %arg4[%add3A_146, %dma_start3A_149] : memref<819200x128xf32, #tpu.memory_space<hbm>> -> memref<128x64xf32, #tpu.memory_space<hbm>>
      tpu.enqueue_dma source(%arg8 : memref<128x64xf32, #tpu.memory_space<vmem>>) target(%dma_start3A_150 : memref<128x64xf32, #tpu.memory_space<hbm>>) target_semaphore(%arg16 : memref<!tpu.dma_semaphore, #tpu.memory_space<semaphore_mem>>)
      %add3A_151 = arith.constant 4 : i32
      %add3A_152 = arith.addi %add3A_131, %add3A_151 : i32
      %sub3A_153 = arith.constant 1 : i32
      %sub3A_154 = arith.subi %add3A_152, %sub3A_153 : i32
      %ge3A_155 = arith.constant 1 : i32
      %ge3A_156 = arith.cmpi sge, %add3A_131, %ge3A_155 : i32
      %le3A_157 = arith.constant 199 : i32
      %le3A_158 = arith.cmpi sle, %sub3A_154, %le3A_157 : i32
      %and3A_159 = arith.andi %ge3A_156, %le3A_158 : i1
      %convert_element_type3A_160 = arith.extui %and3A_159 : i1 to i32
      %cond3A_161 = arith.constant 0 : i32
      %cond3A_162 = arith.cmpi ne, %convert_element_type3A_160, %cond3A_161 : i32
      scf.if %cond3A_162 {
        %dma_wait3A_208 = arith.constant 0 : i32
        %dma_wait3A_209 = arith.constant 0 : i32
        %dma_wait3A_210 = tpu.memref_slice %arg4[%dma_wait3A_208, %dma_wait3A_209] : memref<819200x128xf32, #tpu.memory_space<hbm>> -> memref<128x64xf32, #tpu.memory_space<hbm>>
        %dma_wait3A_211 = arith.constant 0 : i32
        %dma_wait3A_212 = arith.constant 0 : i32
        %dma_wait3A_213 = tpu.memref_slice %arg4[%dma_wait3A_211, %dma_wait3A_212] : memref<819200x128xf32, #tpu.memory_space<hbm>> -> memref<128x64xf32, #tpu.memory_space<hbm>>
        tpu.wait_dma2 semaphore(%arg15 : memref<!tpu.dma_semaphore, #tpu.memory_space<semaphore_mem>>) src(%dma_wait3A_213 : memref<128x64xf32, #tpu.memory_space<hbm>>) dst(%arg7 : memref<128x64xf32, #tpu.memory_space<vmem>>)
      } else {
      }
      %le3A_163 = arith.constant 199 : i32
      %le3A_164 = arith.cmpi sle, %sub3A_154, %le3A_163 : i32
      %convert_element_type3A_165 = arith.extui %le3A_164 : i1 to i32
      %cond3A_166 = arith.constant 0 : i32
      %cond3A_167 = arith.cmpi ne, %convert_element_type3A_165, %cond3A_166 : i32
      scf.if %cond3A_167 {
        %dma_start3A_208 = arith.constant 0 : i32
        %dma_start3A_209 = tpu.memref_slice %arg5[%sub3A_154, %dma_start3A_208] : memref<200x128xi32, #tpu.memory_space<vmem>> -> memref<1x128xi32, #tpu.memory_space<vmem>>
        %dma_start3A_210 = tpu.memref_squeeze %dma_start3A_209 : memref<1x128xi32, #tpu.memory_space<vmem>> -> memref<128xi32, #tpu.memory_space<vmem>>
        %dma_start3A_211 = arith.constant 0 : i32
        %dma_start3A_212 = arith.constant 0 : i32
        %dma_start3A_213 = tpu.memref_slice %arg3[%dma_start3A_211, %dma_start3A_212] : memref<1000000x64xf32, #tpu.memory_space<hbm>> -> memref<1000000x64xf32, #tpu.memory_space<hbm>>
        tpu.enqueue_indirect_dma source(%dma_start3A_213 : memref<1000000x64xf32, #tpu.memory_space<hbm>>) target(%arg7 : memref<128x64xf32, #tpu.memory_space<vmem>>) offsets(%dma_start3A_210 : memref<128xi32, #tpu.memory_space<vmem>>) semaphore(%arg11 : memref<!tpu.dma_semaphore, #tpu.memory_space<semaphore_mem>>)
      } else {
      }
      %mul3A_168 = arith.constant 4 : i32
      %mul3A_169 = arith.muli %scan3A_53, %mul3A_168 : i32
      %add3A_170 = arith.constant 3 : i32
      %add3A_171 = arith.addi %mul3A_169, %add3A_170 : i32
      %dma_wait3A_172 = arith.constant 0 : i32
      %dma_wait3A_173 = arith.constant 0 : i32
      %dma_wait3A_174 = tpu.memref_slice %arg3[%dma_wait3A_172, %dma_wait3A_173] : memref<1000000x64xf32, #tpu.memory_space<hbm>> -> memref<128x64xf32, #tpu.memory_space<hbm>>
      %dma_wait3A_175 = arith.constant 0 : i32
      %dma_wait3A_176 = arith.constant 0 : i32
      %dma_wait3A_177 = tpu.memref_slice %arg3[%dma_wait3A_175, %dma_wait3A_176] : memref<1000000x64xf32, #tpu.memory_space<hbm>> -> memref<128x64xf32, #tpu.memory_space<hbm>>
      tpu.wait_dma2 semaphore(%arg13 : memref<!tpu.dma_semaphore, #tpu.memory_space<semaphore_mem>>) src(%dma_wait3A_177 : memref<128x64xf32, #tpu.memory_space<hbm>>) dst(%arg9 : memref<128x64xf32, #tpu.memory_space<vmem>>)
      %scan3A_178 = arith.constant 0 : i32
      %scan3A_179 = arith.constant 0 : i32
      %scan3A_180 = arith.constant 128 : i32
      %scan3A_181 = arith.addi %scan3A_179, %scan3A_180 : i32
      %scan3A_182 = arith.constant 1 : i32
      scf.for %scan3A_208 = %scan3A_179 to %scan3A_181 step %scan3A_182  : i32 {
        %get3A = arith.index_cast %scan3A_208 : i32 to index
        %get3A_209 = arith.constant 0 : index
        %get3A_210 = tpu.vector_load %arg9[%get3A, %get3A_209] {strides = array<i32>} : memref<128x64xf32, #tpu.memory_space<vmem>>, vector<1x16xf32>,
        %get3A_211 = vector.shape_cast %get3A_210 : vector<1x16xf32> to vector<16xf32>
        %mul3A_212 = arith.constant 8.000000e+00 : f32
        %mul3A_213 = vector.broadcast %mul3A_212 : f32 to vector<16xf32>
        %mul3A_214 = arith.mulf %get3A_211, %mul3A_213 : vector<16xf32>
        %swap3A = arith.index_cast %scan3A_208 : i32 to index
        %swap3A_215 = arith.constant 0 : index
        %swap3A_216 = tpu.vector_load %arg9[%swap3A, %swap3A_215] {strides = array<i32>} : memref<128x64xf32, #tpu.memory_space<vmem>>, vector<1x16xf32>,
        %swap3A_217 = vector.shape_cast %swap3A_216 : vector<1x16xf32> to vector<16xf32>
        %swap3A_218 = vector.shape_cast %mul3A_214 : vector<16xf32> to vector<1x16xf32>
        tpu.vector_store %arg9[%swap3A, %swap3A_215], %swap3A_218 {strides = array<i32>} : memref<128x64xf32, #tpu.memory_space<vmem>>, vector<1x16xf32>,
        %get3A_219 = arith.index_cast %scan3A_208 : i32 to index
        %get3A_220 = arith.constant 16 : index
        %get3A_221 = tpu.vector_load %arg9[%get3A_219, %get3A_220] {strides = array<i32>} : memref<128x64xf32, #tpu.memory_space<vmem>>, vector<1x16xf32>,
        %get3A_222 = vector.shape_cast %get3A_221 : vector<1x16xf32> to vector<16xf32>
        %mul3A_223 = arith.constant 8.000000e+00 : f32
        %mul3A_224 = vector.broadcast %mul3A_223 : f32 to vector<16xf32>
        %mul3A_225 = arith.mulf %get3A_222, %mul3A_224 : vector<16xf32>
        %swap3A_226 = arith.index_cast %scan3A_208 : i32 to index
        %swap3A_227 = arith.constant 16 : index
        %swap3A_228 = tpu.vector_load %arg9[%swap3A_226, %swap3A_227] {strides = array<i32>} : memref<128x64xf32, #tpu.memory_space<vmem>>, vector<1x16xf32>,
        %swap3A_229 = vector.shape_cast %swap3A_228 : vector<1x16xf32> to vector<16xf32>
        %swap3A_230 = vector.shape_cast %mul3A_225 : vector<16xf32> to vector<1x16xf32>
        tpu.vector_store %arg9[%swap3A_226, %swap3A_227], %swap3A_230 {strides = array<i32>} : memref<128x64xf32, #tpu.memory_space<vmem>>, vector<1x16xf32>,
        %get3A_231 = arith.index_cast %scan3A_208 : i32 to index
        %get3A_232 = arith.constant 32 : index
        %get3A_233 = tpu.vector_load %arg9[%get3A_231, %get3A_232] {strides = array<i32>} : memref<128x64xf32, #tpu.memory_space<vmem>>, vector<1x16xf32>,
        %get3A_234 = vector.shape_cast %get3A_233 : vector<1x16xf32> to vector<16xf32>
        %mul3A_235 = arith.constant 8.000000e+00 : f32
        %mul3A_236 = vector.broadcast %mul3A_235 : f32 to vector<16xf32>
        %mul3A_237 = arith.mulf %get3A_234, %mul3A_236 : vector<16xf32>
        %swap3A_238 = arith.index_cast %scan3A_208 : i32 to index
        %swap3A_239 = arith.constant 32 : index
        %swap3A_240 = tpu.vector_load %arg9[%swap3A_238, %swap3A_239] {strides = array<i32>} : memref<128x64xf32, #tpu.memory_space<vmem>>, vector<1x16xf32>,
        %swap3A_241 = vector.shape_cast %swap3A_240 : vector<1x16xf32> to vector<16xf32>
        %swap3A_242 = vector.shape_cast %mul3A_237 : vector<16xf32> to vector<1x16xf32>
        tpu.vector_store %arg9[%swap3A_238, %swap3A_239], %swap3A_242 {strides = array<i32>} : memref<128x64xf32, #tpu.memory_space<vmem>>, vector<1x16xf32>,
        %get3A_243 = arith.index_cast %scan3A_208 : i32 to index
        %get3A_244 = arith.constant 48 : index
        %get3A_245 = tpu.vector_load %arg9[%get3A_243, %get3A_244] {strides = array<i32>} : memref<128x64xf32, #tpu.memory_space<vmem>>, vector<1x16xf32>,
        %get3A_246 = vector.shape_cast %get3A_245 : vector<1x16xf32> to vector<16xf32>
        %mul3A_247 = arith.constant 8.000000e+00 : f32
        %mul3A_248 = vector.broadcast %mul3A_247 : f32 to vector<16xf32>
        %mul3A_249 = arith.mulf %get3A_246, %mul3A_248 : vector<16xf32>
        %swap3A_250 = arith.index_cast %scan3A_208 : i32 to index
        %swap3A_251 = arith.constant 48 : index
        %swap3A_252 = tpu.vector_load %arg9[%swap3A_250, %swap3A_251] {strides = array<i32>} : memref<128x64xf32, #tpu.memory_space<vmem>>, vector<1x16xf32>,
        %swap3A_253 = vector.shape_cast %swap3A_252 : vector<1x16xf32> to vector<16xf32>
        %swap3A_254 = vector.shape_cast %mul3A_249 : vector<16xf32> to vector<1x16xf32>
        tpu.vector_store %arg9[%swap3A_250, %swap3A_251], %swap3A_254 {strides = array<i32>} : memref<128x64xf32, #tpu.memory_space<vmem>>, vector<1x16xf32>,
      }
      %scan3A_183 = arith.constant 128 : i32
      %mul3A_184 = arith.constant 128 : i32
      %mul3A_185 = arith.muli %add3A_171, %mul3A_184 : i32
      %add3A_186 = arith.addi %mul3A_2, %mul3A_185 : i32
      %dma_start3A_187 = arith.constant 0 : i32
      %dma_start3A_188 = tpu.memref_slice %arg4[%add3A_186, %dma_start3A_187] : memref<819200x128xf32, #tpu.memory_space<hbm>> -> memref<128x64xf32, #tpu.memory_space<hbm>>
      %dma_start3A_189 = arith.constant 0 : i32
      %dma_start3A_190 = tpu.memref_slice %arg4[%add3A_186, %dma_start3A_189] : memref<819200x128xf32, #tpu.memory_space<hbm>> -> memref<128x64xf32, #tpu.memory_space<hbm>>
      tpu.enqueue_dma source(%arg9 : memref<128x64xf32, #tpu.memory_space<vmem>>) target(%dma_start3A_190 : memref<128x64xf32, #tpu.memory_space<hbm>>) target_semaphore(%arg17 : memref<!tpu.dma_semaphore, #tpu.memory_space<semaphore_mem>>)
      %add3A_191 = arith.constant 4 : i32
      %add3A_192 = arith.addi %add3A_171, %add3A_191 : i32
      %sub3A_193 = arith.constant 1 : i32
      %sub3A_194 = arith.subi %add3A_192, %sub3A_193 : i32
      %ge3A_195 = arith.constant 1 : i32
      %ge3A_196 = arith.cmpi sge, %add3A_171, %ge3A_195 : i32
      %le3A_197 = arith.constant 199 : i32
      %le3A_198 = arith.cmpi sle, %sub3A_194, %le3A_197 : i32
      %and3A_199 = arith.andi %ge3A_196, %le3A_198 : i1
      %convert_element_type3A_200 = arith.extui %and3A_199 : i1 to i32
      %cond3A_201 = arith.constant 0 : i32
      %cond3A_202 = arith.cmpi ne, %convert_element_type3A_200, %cond3A_201 : i32
      scf.if %cond3A_202 {
        %dma_wait3A_208 = arith.constant 0 : i32
        %dma_wait3A_209 = arith.constant 0 : i32
        %dma_wait3A_210 = tpu.memref_slice %arg4[%dma_wait3A_208, %dma_wait3A_209] : memref<819200x128xf32, #tpu.memory_space<hbm>> -> memref<128x64xf32, #tpu.memory_space<hbm>>
        %dma_wait3A_211 = arith.constant 0 : i32
        %dma_wait3A_212 = arith.constant 0 : i32
        %dma_wait3A_213 = tpu.memref_slice %arg4[%dma_wait3A_211, %dma_wait3A_212] : memref<819200x128xf32, #tpu.memory_space<hbm>> -> memref<128x64xf32, #tpu.memory_space<hbm>>
        tpu.wait_dma2 semaphore(%arg16 : memref<!tpu.dma_semaphore, #tpu.memory_space<semaphore_mem>>) src(%dma_wait3A_213 : memref<128x64xf32, #tpu.memory_space<hbm>>) dst(%arg8 : memref<128x64xf32, #tpu.memory_space<vmem>>)
      } else {
      }
      %le3A_203 = arith.constant 199 : i32
      %le3A_204 = arith.cmpi sle, %sub3A_194, %le3A_203 : i32
      %convert_element_type3A_205 = arith.extui %le3A_204 : i1 to i32
      %cond3A_206 = arith.constant 0 : i32
      %cond3A_207 = arith.cmpi ne, %convert_element_type3A_205, %cond3A_206 : i32
      scf.if %cond3A_207 {
        %dma_start3A_208 = arith.constant 0 : i32
        %dma_start3A_209 = tpu.memref_slice %arg5[%sub3A_194, %dma_start3A_208] : memref<200x128xi32, #tpu.memory_space<vmem>> -> memref<1x128xi32, #tpu.memory_space<vmem>>
        %dma_start3A_210 = tpu.memref_squeeze %dma_start3A_209 : memref<1x128xi32, #tpu.memory_space<vmem>> -> memref<128xi32, #tpu.memory_space<vmem>>
        %dma_start3A_211 = arith.constant 0 : i32
        %dma_start3A_212 = arith.constant 0 : i32
        %dma_start3A_213 = tpu.memref_slice %arg3[%dma_start3A_211, %dma_start3A_212] : memref<1000000x64xf32, #tpu.memory_space<hbm>> -> memref<1000000x64xf32, #tpu.memory_space<hbm>>
        tpu.enqueue_indirect_dma source(%dma_start3A_213 : memref<1000000x64xf32, #tpu.memory_space<hbm>>) target(%arg8 : memref<128x64xf32, #tpu.memory_space<vmem>>) offsets(%dma_start3A_210 : memref<128xi32, #tpu.memory_space<vmem>>) semaphore(%arg12 : memref<!tpu.dma_semaphore, #tpu.memory_space<semaphore_mem>>)
      } else {
      }
    }
    %scan3A_29 = arith.constant 50 : i32
    %dma_wait3A = arith.constant 0 : i32
    %dma_wait3A_30 = arith.constant 0 : i32
    %dma_wait3A_31 = tpu.memref_slice %arg4[%dma_wait3A, %dma_wait3A_30] : memref<819200x128xf32, #tpu.memory_space<hbm>> -> memref<128x64xf32, #tpu.memory_space<hbm>>
    %dma_wait3A_32 = arith.constant 0 : i32
    %dma_wait3A_33 = arith.constant 0 : i32
    %dma_wait3A_34 = tpu.memref_slice %arg4[%dma_wait3A_32, %dma_wait3A_33] : memref<819200x128xf32, #tpu.memory_space<hbm>> -> memref<128x64xf32, #tpu.memory_space<hbm>>
    tpu.wait_dma2 semaphore(%arg14 : memref<!tpu.dma_semaphore, #tpu.memory_space<semaphore_mem>>) src(%dma_wait3A_34 : memref<128x64xf32, #tpu.memory_space<hbm>>) dst(%arg6 : memref<128x64xf32, #tpu.memory_space<vmem>>)
    %dma_wait3A_35 = arith.constant 0 : i32
    %dma_wait3A_36 = arith.constant 0 : i32
    %dma_wait3A_37 = tpu.memref_slice %arg4[%dma_wait3A_35, %dma_wait3A_36] : memref<819200x128xf32, #tpu.memory_space<hbm>> -> memref<128x64xf32, #tpu.memory_space<hbm>>
    %dma_wait3A_38 = arith.constant 0 : i32
    %dma_wait3A_39 = arith.constant 0 : i32
    %dma_wait3A_40 = tpu.memref_slice %arg4[%dma_wait3A_38, %dma_wait3A_39] : memref<819200x128xf32, #tpu.memory_space<hbm>> -> memref<128x64xf32, #tpu.memory_space<hbm>>
    tpu.wait_dma2 semaphore(%arg15 : memref<!tpu.dma_semaphore, #tpu.memory_space<semaphore_mem>>) src(%dma_wait3A_40 : memref<128x64xf32, #tpu.memory_space<hbm>>) dst(%arg7 : memref<128x64xf32, #tpu.memory_space<vmem>>)
    %dma_wait3A_41 = arith.constant 0 : i32
    %dma_wait3A_42 = arith.constant 0 : i32
    %dma_wait3A_43 = tpu.memref_slice %arg4[%dma_wait3A_41, %dma_wait3A_42] : memref<819200x128xf32, #tpu.memory_space<hbm>> -> memref<128x64xf32, #tpu.memory_space<hbm>>
    %dma_wait3A_44 = arith.constant 0 : i32
    %dma_wait3A_45 = arith.constant 0 : i32
    %dma_wait3A_46 = tpu.memref_slice %arg4[%dma_wait3A_44, %dma_wait3A_45] : memref<819200x128xf32, #tpu.memory_space<hbm>> -> memref<128x64xf32, #tpu.memory_space<hbm>>
    tpu.wait_dma2 semaphore(%arg16 : memref<!tpu.dma_semaphore, #tpu.memory_space<semaphore_mem>>) src(%dma_wait3A_46 : memref<128x64xf32, #tpu.memory_space<hbm>>) dst(%arg8 : memref<128x64xf32, #tpu.memory_space<vmem>>)
    %dma_wait3A_47 = arith.constant 0 : i32
    %dma_wait3A_48 = arith.constant 0 : i32
    %dma_wait3A_49 = tpu.memref_slice %arg4[%dma_wait3A_47, %dma_wait3A_48] : memref<819200x128xf32, #tpu.memory_space<hbm>> -> memref<128x64xf32, #tpu.memory_space<hbm>>
    %dma_wait3A_50 = arith.constant 0 : i32
    %dma_wait3A_51 = arith.constant 0 : i32
    %dma_wait3A_52 = tpu.memref_slice %arg4[%dma_wait3A_50, %dma_wait3A_51] : memref<819200x128xf32, #tpu.memory_space<hbm>> -> memref<128x64xf32, #tpu.memory_space<hbm>>
    tpu.wait_dma2 semaphore(%arg17 : memref<!tpu.dma_semaphore, #tpu.memory_space<semaphore_mem>>) src(%dma_wait3A_52 : memref<128x64xf32, #tpu.memory_space<hbm>>) dst(%arg9 : memref<128x64xf32, #tpu.memory_space<vmem>>)
    return
  }
}

</mosaic_0001>

<sc_bundles>
// kernel: kernel.3.cloned.1.call-start
scs
__scs_entry_jumppad:
0x0: {  	(pc) =	sbr.rel $0x88, $3  }
0x1: {  	(tag) =	ssettag $0x0;
	lr =	simm.s32 $0x1  }
0x2: {  	[smem:$0x3F9F] =	sst lr;
	_ =	strace $0xD0000000  }
0x3: {  	_ = 	snop  }
0x4: {  	_ = 	snop  }
0x5: {  	_ = 	snop  }
0x6: {  	_ = 	snop  }
0x7: {  	_ = 	snop  }
__scs_overlays_trampoline_lowered:
0x8: {  	[smem:$0x3FAE] =	sst s0  }
0x9: {  	[smem:$0x3FAF] =	sst s1  }
0xa: {  	[smem:$0x3FB0] =	sst s2  }
0xb: {  	[smem:$0x3FB1] =	sst s3  }
0xc: {  	[smem:$0x3FB2] =	sst s4  }
0xd: {  	[smem:$0x3FB3] =	sst s5  }
0xe: {  	[smem:$0x3FB4] =	sst s6  }
0xf: {  	[smem:$0x3FB5] =	sst s7  }
0x10: {  	[smem:$0x3FB6] =	sst s8  }
0x11: {  	[smem:$0x3FB7] =	sst s9;
	s0 =	simm.s32 @!p0 $0x0  }
0x12: {  	s1 =	sld [smem:$0x3F9D];
	s0 =	simm.s32 @p0 $0x1  }
0x13: {  	[smem:$0x3FB8] =	sst s0;
	s0 =	simm.s32 @!p1 $0x0  }
0x14: {  	s2 =	sld [smem:$0x3F9C];
	s0 =	simm.s32 @p1 $0x1  }
0x15: {  	[smem:$0x3FB9] =	sst s0;
	s0 =	simm.s32 @!p2 $0x0  }
0x16: {  	s3 =	sld [smem:$0x3FDB];
	s0 =	simm.s32 @p2 $0x1  }
0x17: {  	s4 =	simm.s32 $0x1BF5;
	[smem:$0x3FBB] =	sst s0  }
0x18: {  	s0 =	sld [smem:$0x3F9E];
	_ =	swait.ge [sflag:s4], $0x0  }
0x19: {  	s7 =	sld [smem:$0x3F9F]  }
0x1a: {  	s8 =	sadd.s32 $0xFFFFE003, lr  }
0x1b: {  	s9 =	sadd.s32 $0xFFFFFEF7, lr;
	s5 =	simm.s32 $0xFFFFFFFF;
	p2 =	slt.u32 s8, $0xFFFFF086  }
0x1c: {  	p1 =	slt.u32 s9, $0xF7A;
	s5 =	simm.s32 @!p2 $0x0  }
0x1d: {  	s5 =	simm.s32 @p1 $0x1;
	p0 =	seq.s32 s7, s2  }
0x1e: {  	s7 =	smul.u32 @!p0 $0xF7A, s2;
	p2 =	seq.s32 @!p0 s5, $0x0  }
0x1f: {  	s9 =	smul.u32 $0xF7A, s1;
	s8 =	simm.s32 @!p0 $0x1BF5;
	p2 =	por !p2, p0  }
0x20: {  	[sflag:s8] =	ssyncset.s32 @!p0 $0xFFFFF086;
	s6 =	sadd.s32 @!p0 s3, s7;
	s7 =	simm.s32 @!p0 $0x108  }
0x21: {  	s3 =	sadd.s32 s3, s9;
	s6 =	sadd.s32 @!p0 $0x88, s6;
	s7 =	simm.s32 @p2 $0x1082  }
0x22: {  	[simem:s7], [sflag:s8] =	dma.local @!p0 [hbm:s6], $0xF7A  }
0x23: {  	s9 =	sor.u32 $0xD0000000, s2;
	s6 =	simm.s32 $0x108;
	_ =	swait.ge @!p0 [sflag:s8], $0x0  }
0x24: {  	s3 =	sadd.s32 $0x88, s3;
	s6 =	simm.s32 @!p1 $0x1082;
	[sflag:s4] =	ssyncset.s32 $0xFFFFF086  }
0x25: {  	[simem:s6], [sflag:s4] =	dma.local [hbm:s3], $0xF7A  }
0x26: {  	[smem:$0x3F9F] =	sst s1;
	(tag) =	ssettag s2;
	_ =	strace s9  }
0x27: {  	s1 =	sld [smem:$0x3FAF]  }
0x28: {  	s2 =	sld [smem:$0x3FB0]  }
0x29: {  	s4 =	sld [smem:$0x3FB2]  }
0x2a: {  	p0 =	seq.s32 s5, $0x0;
	s5 =	sld [smem:$0x3FB3]  }
0x2b: {  	s6 =	sld [smem:$0x3FB4]  }
0x2c: {  	s7 =	sld [smem:$0x3FB5]  }
0x2d: {  	s3 =	simm.s32 $0x108;
	s8 =	sld [smem:$0x3FB6]  }
0x2e: {  	s3 =	simm.s32 @!p0 $0x1082;
	s9 =	sld [smem:$0x3FB7]  }
0x2f: {  	lr =	sadd.s32 s0, s3;
	s0 =	sld [smem:$0x3FAE]  }
0x30: {  	s3 =	sld [smem:$0x3FB1]  }
0x31: {  	[smem:$0x3FBA] =	sst s10  }
0x32: {  	s10 =	sld [smem:$0x3FB8];
	_ =	sdelay $0x3  }
0x33: {  	p0 =	seq.s32 s10, $0x1;
	s10 =	sld [smem:$0x3FBA];
	_ =	sdelay $0x3  }
0x34: {  	[smem:$0x3FBA] =	sst s10  }
0x35: {  	s10 =	sld [smem:$0x3FB9];
	_ =	sdelay $0x3  }
0x36: {  	p1 =	seq.s32 s10, $0x1;
	s10 =	sld [smem:$0x3FBA];
	_ =	sdelay $0x3  }
0x37: {  	[smem:$0x3FBA] =	sst s10  }
0x38: {  	s10 =	sld [smem:$0x3FBB]  }
0x39: {  	_ = 	snop;
	(pc) =	sbr.ind lr, $3  }
0x3a: {  	_ = 	snop  }
0x3b: {  	_ = 	snop  }
0x3c: {  	p2 =	seq.s32 s10, $0x1;
	s10 =	sld [smem:$0x3FBA]  }
0x3d: {  	_ =	shalt  }
0x3e: {  	_ =	shalt  }
0x3f: {  	_ =	shalt  }
0x40: {  	_ =	shalt  }
0x41: {  	_ =	shalt  }
0x42: {  	_ =	shalt  }
0x43: {  	_ =	shalt  }
0x44: {  	_ =	shalt  }
0x45: {  	_ =	shalt  }
0x46: {  	_ =	shalt  }
0x47: {  	_ =	shalt  }
0x48: {  	_ =	shalt  }
0x49: {  	_ =	shalt  }
0x4a: {  	_ =	shalt  }
0x4b: {  	_ =	shalt  }
0x4c: {  	_ =	shalt  }
0x4d: {  	_ =	shalt  }
0x4e: {  	_ =	shalt  }
0x4f: {  	_ =	shalt  }
0x50: {  	_ =	shalt  }
0x51: {  	_ =	shalt  }
0x52: {  	_ =	shalt  }
0x53: {  	_ =	shalt  }
0x54: {  	_ =	shalt  }
0x55: {  	_ =	shalt  }
0x56: {  	_ =	shalt  }
0x57: {  	_ =	shalt  }
0x58: {  	_ =	shalt  }
0x59: {  	_ =	shalt  }
0x5a: {  	_ =	shalt  }
0x5b: {  	_ =	shalt  }
0x5c: {  	_ =	shalt  }
0x5d: {  	_ =	shalt  }
0x5e: {  	_ =	shalt  }
0x5f: {  	_ =	shalt  }
0x60: {  	_ =	shalt  }
0x61: {  	_ =	shalt  }
0x62: {  	_ =	shalt  }
0x63: {  	_ =	shalt  }
0x64: {  	_ =	shalt  }
0x65: {  	_ =	shalt  }
0x66: {  	_ =	shalt  }
0x67: {  	_ =	shalt  }
0x68: {  	_ =	shalt  }
0x69: {  	_ =	shalt  }
0x6a: {  	_ =	shalt  }
0x6b: {  	_ =	shalt  }
0x6c: {  	_ =	shalt  }
0x6d: {  	_ =	shalt  }
0x6e: {  	_ =	shalt  }
0x6f: {  	_ =	shalt  }
0x70: {  	_ =	shalt  }
0x71: {  	_ =	shalt  }
0x72: {  	_ =	shalt  }
0x73: {  	_ =	shalt  }
0x74: {  	_ =	shalt  }
0x75: {  	_ =	shalt  }
0x76: {  	_ =	shalt  }
0x77: {  	_ =	shalt  }
0x78: {  	_ =	shalt  }
0x79: {  	_ =	shalt  }
0x7a: {  	_ =	shalt  }
0x7b: {  	_ =	shalt  }
0x7c: {  	_ =	shalt  }
0x7d: {  	_ =	shalt  }
0x7e: {  	_ =	shalt  }
0x7f: {  	_ =	shalt  }
0x80: {  	_ =	shalt  }
0x81: {  	_ =	shalt  }
0x82: {  	_ =	shalt  }
0x83: {  	_ =	shalt  }
0x84: {  	_ =	shalt  }
0x85: {  	_ =	shalt  }
0x86: {  	_ =	shalt  }
0x87: {  	_ =	shalt  }
.Lfunc_end0:
.L_simem_size_0:
called_computation.1_lowered:
.L_overlay_start_0:
0x88: {  	s2 =	sld [smem:$0x3FD9]  }
0x89: {  	s3 =	sld [smem:$0x3FFE];
	_ =	sdelay $0x1  }
0x8a: {  	s1 =	srdreg.scid  }
0x8b: {  	s0 =	sand.u32 $0x1, s1  }
0x8c: {  	s17 =	sshll.u32 s0, $0xA;
	s2 =	sadd.s32 s3, s2  }
0x8d: {  	s2 =	sadd.s32 s2, s17  }
0x8e: {  	[smem:$0x3FC6] =	sst s2  }
0x8f: {  	_ = 	snop  }
0x90: {  	s2 =	sld [smem:$0x3FD0];
	(tm) =	ssettm $0x1  }
0x91: {  	s18 =	sld [smem:$0x3FFB];
	_ =	sdelay $0x3  }
0x92: {  	_ =	strace s18  }
0x93: {  	s3 =	sld [smem:$0x3FFC];
	_ =	sdelay $0x3  }
0x94: {  	_ =	strace s3  }
0x95: {  	s3 =	sld [smem:$0x3FFD];
	_ =	sdelay $0x3  }
0x96: {  	_ =	strace s3  }
0x97: {  	_ =	strace $0x8FFFFFFF  }
0x98: {  	s19 =	sld [smem:$0x3FDB];
	_ =	sdelay $0x1  }
0x99: {  	s4 =	simm.s32 $_scs_section_size  }
0x9a: {  	s5 =	simm.s32 $_size__tile_overlayer_lowered;
	s6 =	simm.s32 $_tile_overlayer_lowered  }
0x9b: {  	s22 =	simm.s32 $0x1BFF;
	s21 =	sshll.u32 s6, $0x1;
	s3 =	sadd.s32 s4, s19  }
0x9c: {  	s7 =	simm.s32 $0x0;
	s20 =	sshll.u32 s5, $0x1;
	s5 =	sadd.s32 s21, s3  }
0x9d: {  	[timem:s7], [sflag:s22] =	dma.local [hbm:s5], s20  }
0x9e: {  	_ =	swait.ge [sflag:s22], s20  }
0x9f: {  	s4 =	ssub.s32 $0x0, s20;
	[sflag:s22] =	ssyncset.done $0x0  }
0xa0: {  	[sflag:s22] =	ssyncadd.s32 s4;
	_ =	sdelay $0x1  }
0xa1: {  	s23 =	simm.s32 $0x1B8B  }
0xa2: {  	_ =	swait.ge [sflag:s23], $0x1  }
0xa3: {  	[sflag:s23] =	ssyncset.done $0x0  }
0xa4: {  	s25 =	simm.s32 $0x1B8E;
	s24 =	sld [smem:$0x3FFE];
	[sflag:s23] =	ssyncadd.s32 $0xFFFFFFFF  }
0xa5: {  	s26 =	simm.s32 $execute0_lowered;
	[smem:$0x3FD2] =	sst s25  }
0xa6: {  	s5 =	sshll.u32 s26, $0x1;
	_ =	strace $0x80000046;
	[dreg:$0x1] =	wrdreg $0xFFFFFFFF  }
0xa7: {  	s28 =	simm.s32 $_size_execute0_lowered;
	s3 =	sadd.s32 s3, s5;
	[dreg:$0x0] =	wrdreg $0x0  }
0xa8: {  	s5 =	sshll.u32 s28, $0x1;
	[dreg:$0x2] =	wrdreg s3  }
0xa9: {  	[dreg:$0x3] =	wrdreg s5  }
0xaa: {  	[dreg:$0x4] =	wrdreg $0xC0  }
0xab: {  	_ =	task [dreg:s7], $0x5FFFF  }
0xac: {  	[dreg:$0x1] =	wrdreg $0xFFFFFFFF  }
0xad: {  	[dreg:$0x0] =	wrdreg $0x60  }
0xae: {  	[dreg:$0x2] =	wrdreg s2  }
0xaf: {  	[dreg:$0x3] =	wrdreg s24  }
0xb0: {  	[dreg:$0x4] =	wrdreg $0x9  }
0xb1: {  	_ =	task.clear_ibuf [dreg:s7], $0x5FFFF;
	_ =	strace $0x90000046  }
0xb2: {  	s29 =	simm.s32 $0x9;
	_ =	strace $0x80000048  }
0xb3: {  	_ =	swait.ge [sflag:s29], $0x1  }
0xb4: {  	[sflag:s29] =	ssyncadd.s32 $0xFFFFFFFF  }
0xb5: {  	_ =	strace $0x90000048  }
0xb6: {  	_ =	sfence  }
0xb7: {  	s30 =	sld [smem:$0x0];
	_ =	sdelay $0x2  }
0xb8: {  	s31 =	sshll.u32 s1, $0xD;
	s1 =	sshrl.u32 s1, $0x2  }
0xb9: {  	s3 =	sand.u32 $0x4000, s31;
	s1 =	sadd.s32 s1, s30  }
0xba: {  	s0 =	sor.u32 s3, s0;
	s1 =	sshll.u32 s1, $0x11  }
0xbb: {  	s0 =	sor.u32 s1, s0  }
0xbc: {  	s0 =	sadd.s32 $0x8F2B, s0  }
0xbd: {  	[sflag:s0] =	ssyncadd.remote.s32 $0x1  }
0xbe: {  	_ =	sfence.sel $0xFFFF  }
0xbf: {  	[dreg:$0x0] =	wrdreg $0xFFFFFFFF;
	(pc) =	sbr.abs _section_cstart, $3  }
0xc0: {  	[dreg:$0x1] =	wrdreg $0xFFFFFFFF  }
0xc1: {  	_ =	task.clear_ibuf [dreg:s7], $0x2FFFF;
	_ =	strace $0x9FFFFFFF  }
0xc2: {  	(tm) =	ssettm $0x7FFFFFFF  }
0xc3: {  	_ =	shalt  }
tec
execute0_lowered:
.L_overlay_start_1:
0x0: {  	(tag) =	ssettag $0x1  }
0x1: {  	s0 =	rddreg [dreg:$0x0];
	s1 =	srdreg.scid  }
0x2: {  	s2 =	stileid.u32;
	s5 =	rddreg [dreg:$0x1];
	s10 =	simm.s32 $0x9  }
0x3: {  	s11 =	simm.s32 $0x80;
	s12 =	simm.s32 $0x6400;
	s13 =	simm.s32 $0x8400  }
0x4: {  	s15 =	simm.s32 $0xA400;
	s16 =	simm.s32 $0x1;
	s17 =	simm.s32 $0x40  }
0x5: {  	s18 =	simm.s32 $0xC400;
	s19 =	simm.s32 $0x2;
	s20 =	simm.s32 $0x3  }
0x6: {  	s21 =	simm.s32 $0x4;
	s22 =	simm.s32 $0x5;
	s23 =	simm.s32 $0x6  }
0x7: {  	s24 =	simm.s32 $0x7;
	s25 =	simm.s32 $0x8;
	s26 =	simm.s32 $0x0  }
0x8: {  	s1 =	sand.u32 $0x1, s1;
	s3 =	sshll.u32 s2, $0x1;
	s2 =	simm.s32 $0x0  }
.Ltmp0:
0x9: {  	s4 =	sadd.s32 $0xF42E00, s5;
	s3 =	sor.u32 s1, s3;
	(pc) =	sbr.rel .LBB2_1-.Ltmp0, $4  }
0xa: {  	s5 =	sadd.s32 $0xA00, s5;
	s1 =	ssub.s32 $0x2, s1;
	s6 =	smul.u32 $0xC80, s3  }
0xb: {  	[smem:$0x7FF] =	sst s2;
	s7 =	sshrl.u32 s1, $0x1;
	s3 =	smul.u32 $0x320000, s3  }
0xc: {  	_ =	strace $0x80000047;
	s1 =	ssub.s32 s1, s7;
	s6 =	sadd.s32 s0, s6  }
0xd: {  	s7 =	sor.u32 $0x4000, s3;
	s8 =	sor.u32 $0x8000, s3;
	s9 =	smax.u32 s1, $0x1  }
.LBB2_12:
0xe: {  	_ =	swait.ge [sflag:s22], $0x2000  }
0xf: {  	[sflag:s22] =	ssyncset.done $0x0  }
0x10: {  	[sflag:s22] =	ssyncadd.s32 $0xFFFFE000  }
0x11: {  	_ =	swait.ge [sflag:s23], $0x2000  }
0x12: {  	[sflag:s23] =	ssyncset.done $0x0  }
0x13: {  	s26 =	sadd.s32 $0x1, s26;
	[sflag:s23] =	ssyncadd.s32 $0xFFFFE000  }
0x14: {  	p0 =	sne.s32 s26, s9;
	_ =	swait.ge [sflag:s24], $0x2000  }
.Ltmp1:
0x15: {  	[sflag:s24] =	ssyncset.done $0x0;
	(pc) =	sbr.rel @!p0 .LBB2_13-.Ltmp1, $4  }
0x16: {  	[sflag:s24] =	ssyncadd.s32 $0xFFFFE000  }
0x17: {  	_ =	swait.ge [sflag:s25], $0x2000  }
0x18: {  	[sflag:s25] =	ssyncset.done $0x0  }
0x19: {  	[sflag:s25] =	ssyncadd.s32 $0xFFFFE000  }
.LBB2_1:
0x1a: {  	[tilespmem:s2], [sflag:$0x9] =	stream.linear.gather [hbm4b:s6+s2], $0x6400, $0x38;
	[tilespmem:$0xE400] =	vst v63  }
0x1b: {  	_ =	swait.ge [sflag:s10], $0x6400  }
0x1c: {  	[sflag:s10] =	ssyncset.done $0x0  }
0x1d: {  	[sflag:s10] =	ssyncadd.s32 $0xFFFF9C00  }
0x1e: {  	[tilespmem:s12], [sflag:$0x1] =	stream.indirect.gather [hbm4b:s4+s11], $0x40, s2, s11, $0xb8;
	[tilespmem:$0xE400] =	vst v63  }
0x1f: {  	_ = 	snop  }
0x20: {  	[tilespmem:s13], [sflag:$0x2] =	stream.indirect.gather [hbm4b:s4+s11], $0x40, s11, s11, $0xb8;
	[tilespmem:$0xE400] =	vst v63  }
0x21: {  	s0 =	simm.s32 $0x100;
	s28 =	simm.s32 $0x0  }
0x22: {  	[tilespmem:s15], [sflag:$0x3] =	stream.indirect.gather [hbm4b:s4+s11], $0x40, s0, s11, $0xb8;
	[tilespmem:$0xE400] =	vst v63  }
.LBB2_2:
0x23: {  	_ =	swait.ge [sflag:s16], $0x2000  }
0x24: {  	[sflag:s16] =	ssyncset.done $0x0  }
0x25: {  	s29 =	simm.s32 $0x0;
	[sflag:s16] =	ssyncadd.s32 $0xFFFFE000  }
0x26: {  	v0 =	vld [tilespmem:s29+$0x6400]  }
0x27: {  	v2 =	vld [tilespmem:s29+$0x6410]  }
0x28: {  	s1 =	simm.s32 $0x100;
	v1 =	vld [tilespmem:s29+$0x6420]  }
.LBB2_3:
0x29: {  	p0 =	sne.s32 s1, $0x7F00;
	v3 =	vld [tilespmem:s29+$0x6430];
	_ =	sdelay $0x1  }
0x2a: {  	v0 =	vmul.f32 $8.000000000e+00, v0  }
.Ltmp2:
0x2b: {  	v2 =	vmul.f32 $8.000000000e+00, v2;
	(pc) =	sbr.rel @p0 .LBB2_3-.Ltmp2, $4  }
0x2c: {  	s0 =	sshra.s32 s1, $0x2;
	[tilespmem:s29+$0x6400] =	vst v0;
	v1 =	vmul.f32 $8.000000000e+00, v1  }
0x2d: {  	v0 =	vld [tilespmem:s0+$0x6400];
	[tilespmem:s29+$0x6410] =	vst v2;
	v3 =	vmul.f32 $8.000000000e+00, v3  }
0x2e: {  	v2 =	vld [tilespmem:s0+$0x6410];
	[tilespmem:s29+$0x6420] =	vst v1  }
0x2f: {  	s1 =	sadd.s32 $0x100, s1;
	v1 =	vld [tilespmem:s0+$0x6420];
	[tilespmem:s29+$0x6430] =	vst v3;
	s29 =	smov.u32 s0  }
0x30: {  	v3 =	vld [tilespmem:s29+$0x6430];
	_ =	sdelay $0x1  }
0x31: {  	v0 =	vmul.f32 $8.000000000e+00, v0  }
0x32: {  	v2 =	vmul.f32 $8.000000000e+00, v2  }
0x33: {  	s30 =	sshll.u32 s28, $0x10;
	[tilespmem:s29+$0x6400] =	vst v0;
	v0 =	vmul.f32 $8.000000000e+00, v1  }
0x34: {  	s0 =	sadd.s32 s3, s30;
	[tilespmem:s29+$0x6410] =	vst v2;
	v1 =	vmul.f32 $8.000000000e+00, v3  }
0x35: {  	s0 =	sshrl.u32 s0, $0x3;
	[tilespmem:s29+$0x6420] =	vst v0  }
0x36: {  	p0 =	seq.s32 s28, $0x0;
	s0 =	sadd.s32 s5, s0;
	[tilespmem:s29+$0x6430] =	vst v1  }
0x37: {  	[hbm4b:s0+s17] =	stream.strided.scatter [tilespmem:s12], [sflag:$0x5], $0x2000, s11, s17, $0x38;
	[tilespmem:$0xE400] =	vst v63  }
0x38: {  	s0 =	simm.s32 @!p0 $0x8  }
0x39: {  	s29 =	sshllo.u32 s28, $0x2;
	_ =	swait.ge @!p0 [sflag:s0], $0x2000  }
0x3a: {  	s1 =	sshll.u32 s29, $0x7;
	[sflag:s0] =	ssyncset.done @!p0 $0x0  }
0x3b: {  	s14 =	sand.u32 $0x3FFFFF80, s1;
	[sflag:s0] =	ssyncadd.s32 @!p0 $0xFFFFE000  }
0x3c: {  	[tilespmem:s18], [sflag:$0x4] =	stream.indirect.gather [hbm4b:s4+s11], $0x40, s14, s11, $0xb8;
	[tilespmem:$0xE400] =	vst v63  }
0x3d: {  	_ =	swait.ge [sflag:s19], $0x2000  }
0x3e: {  	[sflag:s19] =	ssyncset.done $0x0  }
0x3f: {  	s31 =	simm.s32 $0x0;
	[sflag:s19] =	ssyncadd.s32 $0xFFFFE000  }
0x40: {  	v0 =	vld [tilespmem:s31+$0x8400]  }
0x41: {  	v2 =	vld [tilespmem:s31+$0x8410]  }
0x42: {  	s1 =	simm.s32 $0x100;
	v1 =	vld [tilespmem:s31+$0x8420]  }
.LBB2_5:
0x43: {  	p0 =	sne.s32 s1, $0x7F00;
	v3 =	vld [tilespmem:s31+$0x8430];
	_ =	sdelay $0x1  }
0x44: {  	v0 =	vmul.f32 $8.000000000e+00, v0  }
.Ltmp3:
0x45: {  	v2 =	vmul.f32 $8.000000000e+00, v2;
	(pc) =	sbr.rel @p0 .LBB2_5-.Ltmp3, $4  }
0x46: {  	s0 =	sshra.s32 s1, $0x2;
	[tilespmem:s31+$0x8400] =	vst v0;
	v1 =	vmul.f32 $8.000000000e+00, v1  }
0x47: {  	v0 =	vld [tilespmem:s0+$0x8400];
	[tilespmem:s31+$0x8410] =	vst v2;
	v3 =	vmul.f32 $8.000000000e+00, v3  }
0x48: {  	v2 =	vld [tilespmem:s0+$0x8410];
	[tilespmem:s31+$0x8420] =	vst v1  }
0x49: {  	s1 =	sadd.s32 $0x100, s1;
	v1 =	vld [tilespmem:s0+$0x8420];
	[tilespmem:s31+$0x8430] =	vst v3;
	s31 =	smov.u32 s0  }
0x4a: {  	v3 =	vld [tilespmem:s31+$0x8430];
	_ =	sdelay $0x1  }
0x4b: {  	v0 =	vmul.f32 $8.000000000e+00, v0  }
0x4c: {  	v2 =	vmul.f32 $8.000000000e+00, v2  }
0x4d: {  	[tilespmem:s31+$0x8400] =	vst v0;
	v0 =	vmul.f32 $8.000000000e+00, v1  }
0x4e: {  	s0 =	sadd.s32 s30, s7;
	[tilespmem:s31+$0x8410] =	vst v2;
	v1 =	vmul.f32 $8.000000000e+00, v3  }
0x4f: {  	s0 =	sshrl.u32 s0, $0x3;
	[tilespmem:s31+$0x8420] =	vst v0  }
0x50: {  	p0 =	seq.s32 s28, $0x31;
	s0 =	sadd.s32 s5, s0;
	[tilespmem:s31+$0x8430] =	vst v1  }
0x51: {  	[hbm4b:s0+s17] =	stream.strided.scatter [tilespmem:s13], [sflag:$0x6], $0x2000, s11, s17, $0x38;
	[tilespmem:$0xE400] =	vst v63  }
0x52: {  	s0 =	simm.s32 @!p0 $0x5  }
0x53: {  	s1 =	sshll.u32 @!p0 s28, $0x9;
	_ =	swait.ge @!p0 [sflag:s0], $0x2000  }
0x54: {  	s14 =	simm.s32 @!p0 $0x6400;
	s31 =	sand.u32 @!p0 $0x3FFFFE00, s1;
	[sflag:s0] =	ssyncset.done @!p0 $0x0  }
0x55: {  	s1 =	simm.s32 @!p0 $0x80;
	[sflag:s0] =	ssyncadd.s32 @!p0 $0xFFFFE000;
	s0 =	sadd.s32 @!p0 $0x200, s31  }
0x56: {  	[tilespmem:s14], [sflag:$0x1] =	stream.indirect.gather @!p0 [hbm4b:s4+s1], $0x40, s0, s1, $0xb8;
	[tilespmem:$0xE400] =	vst v63  }
0x57: {  	_ =	swait.ge [sflag:s20], $0x2000  }
0x58: {  	[sflag:s20] =	ssyncset.done $0x0  }
0x59: {  	s1 =	simm.s32 $0x0;
	[sflag:s20] =	ssyncadd.s32 $0xFFFFE000  }
0x5a: {  	v0 =	vld [tilespmem:s1+$0xA400]  }
0x5b: {  	v2 =	vld [tilespmem:s1+$0xA410]  }
0x5c: {  	s0 =	simm.s32 $0x100;
	v1 =	vld [tilespmem:s1+$0xA420]  }
.LBB2_7:
0x5d: {  	p1 =	sne.s32 s0, $0x7F00;
	v3 =	vld [tilespmem:s1+$0xA430];
	_ =	sdelay $0x1  }
0x5e: {  	v0 =	vmul.f32 $8.000000000e+00, v0  }
.Ltmp4:
0x5f: {  	v2 =	vmul.f32 $8.000000000e+00, v2;
	(pc) =	sbr.rel @p1 .LBB2_7-.Ltmp4, $4  }
0x60: {  	s14 =	sshra.s32 s0, $0x2;
	[tilespmem:s1+$0xA400] =	vst v0;
	v1 =	vmul.f32 $8.000000000e+00, v1  }
0x61: {  	v0 =	vld [tilespmem:s14+$0xA400];
	[tilespmem:s1+$0xA410] =	vst v2;
	v3 =	vmul.f32 $8.000000000e+00, v3  }
0x62: {  	v2 =	vld [tilespmem:s14+$0xA410];
	[tilespmem:s1+$0xA420] =	vst v1  }
0x63: {  	s0 =	sadd.s32 $0x100, s0;
	v1 =	vld [tilespmem:s14+$0xA420];
	[tilespmem:s1+$0xA430] =	vst v3;
	s1 =	smov.u32 s14  }
0x64: {  	v3 =	vld [tilespmem:s1+$0xA430];
	_ =	sdelay $0x1  }
0x65: {  	v0 =	vmul.f32 $8.000000000e+00, v0  }
0x66: {  	v2 =	vmul.f32 $8.000000000e+00, v2  }
0x67: {  	[tilespmem:s1+$0xA400] =	vst v0;
	v0 =	vmul.f32 $8.000000000e+00, v1  }
0x68: {  	s0 =	sadd.s32 s30, s8;
	[tilespmem:s1+$0xA410] =	vst v2;
	v1 =	vmul.f32 $8.000000000e+00, v3  }
0x69: {  	s0 =	sshrl.u32 s0, $0x3;
	[tilespmem:s1+$0xA420] =	vst v0  }
0x6a: {  	s0 =	sadd.s32 s5, s0;
	[tilespmem:s1+$0xA430] =	vst v1  }
0x6b: {  	[hbm4b:s0+s17] =	stream.strided.scatter [tilespmem:s15], [sflag:$0x7], $0x2000, s11, s17, $0x38;
	[tilespmem:$0xE400] =	vst v63  }
0x6c: {  	s0 =	simm.s32 @!p0 $0x6  }
0x6d: {  	_ =	swait.ge @!p0 [sflag:s0], $0x2000  }
0x6e: {  	s14 =	simm.s32 @!p0 $0x8400;
	[sflag:s0] =	ssyncset.done @!p0 $0x0  }
0x6f: {  	s1 =	simm.s32 @!p0 $0x80;
	[sflag:s0] =	ssyncadd.s32 @!p0 $0xFFFFE000;
	s0 =	sadd.s32 @!p0 $0x280, s31  }
0x70: {  	[tilespmem:s14], [sflag:$0x2] =	stream.indirect.gather @!p0 [hbm4b:s4+s1], $0x40, s0, s1, $0xb8;
	[tilespmem:$0xE400] =	vst v63  }
0x71: {  	_ =	swait.ge [sflag:s21], $0x2000  }
0x72: {  	[sflag:s21] =	ssyncset.done $0x0  }
0x73: {  	s30 =	simm.s32 $0x0;
	[sflag:s21] =	ssyncadd.s32 $0xFFFFE000  }
0x74: {  	v0 =	vld [tilespmem:s30+$0xC400]  }
0x75: {  	v2 =	vld [tilespmem:s30+$0xC410]  }
0x76: {  	s0 =	simm.s32 $0x100;
	v1 =	vld [tilespmem:s30+$0xC420]  }
.LBB2_9:
0x77: {  	p1 =	sne.s32 s0, $0x7F00;
	v3 =	vld [tilespmem:s30+$0xC430];
	_ =	sdelay $0x1  }
0x78: {  	v0 =	vmul.f32 $8.000000000e+00, v0  }
.Ltmp5:
0x79: {  	v2 =	vmul.f32 $8.000000000e+00, v2;
	(pc) =	sbr.rel @p1 .LBB2_9-.Ltmp5, $4  }
0x7a: {  	s1 =	sshra.s32 s0, $0x2;
	[tilespmem:s30+$0xC400] =	vst v0;
	v1 =	vmul.f32 $8.000000000e+00, v1  }
0x7b: {  	v0 =	vld [tilespmem:s1+$0xC400];
	[tilespmem:s30+$0xC410] =	vst v2;
	v3 =	vmul.f32 $8.000000000e+00, v3  }
0x7c: {  	v2 =	vld [tilespmem:s1+$0xC410];
	[tilespmem:s30+$0xC420] =	vst v1  }
0x7d: {  	s0 =	sadd.s32 $0x100, s0;
	v1 =	vld [tilespmem:s1+$0xC420];
	[tilespmem:s30+$0xC430] =	vst v3;
	s30 =	smov.u32 s1  }
0x7e: {  	v3 =	vld [tilespmem:s30+$0xC430];
	_ =	sdelay $0x1  }
0x7f: {  	v0 =	vmul.f32 $8.000000000e+00, v0  }
0x80: {  	v2 =	vmul.f32 $8.000000000e+00, v2  }
.Ltmp6:
0x81: {  	s0 =	sshll.u32 s29, $0xE;
	[tilespmem:s30+$0xC400] =	vst v0;
	v62 =	vmul.f32 $8.000000000e+00, v1;
	(pc) =	sbr.rel @p0 .LBB2_12-.Ltmp6, $4  }
0x82: {  	s0 =	sadd.s32 s3, s0;
	[tilespmem:s30+$0xC410] =	vst v2;
	v63 =	vmul.f32 $8.000000000e+00, v3  }
0x83: {  	s0 =	sshrl.u32 s0, $0x3;
	[tilespmem:s30+$0xC420] =	vst v62  }
0x84: {  	s0 =	sadd.s32 s5, s0;
	[tilespmem:s30+$0xC430] =	vst v63  }
0x85: {  	[hbm4b:s0+s17] =	stream.strided.scatter [tilespmem:s18], [sflag:$0x8], $0x2000, s11, s17, $0x38;
	[tilespmem:$0xE400] =	vst v63  }
.Ltmp7:
0x86: {  	(pc) =	sbr.rel .LBB2_2-.Ltmp7, $4  }
0x87: {  	_ =	swait.ge [sflag:s24], $0x2000;
	s0 =	sshll.u32 s28, $0x9  }
0x88: {  	[sflag:s24] =	ssyncset.done $0x0;
	s0 =	sand.u32 $0x3FFFFE00, s0  }
0x89: {  	s28 =	sadd.s32 $0x1, s28;
	[sflag:s24] =	ssyncadd.s32 $0xFFFFE000;
	s0 =	sadd.s32 $0x300, s0  }
0x8a: {  	[tilespmem:s15], [sflag:$0x3] =	stream.indirect.gather [hbm4b:s4+s11], $0x40, s0, s11, $0xb8;
	[tilespmem:$0xE400] =	vst v63  }
.LBB2_13:
0x8b: {  	_ =	sfence.sel $0x180000  }
0x8c: {  	[bflag:$0x0] =	sbarrier.arrive $0xFFFF  }
0x8d: {  	_ =	strace $0x90000047  }
0x8e: {  	s0 =	stileid.u32;
	[bflag:$0x2] =	sbarrier.arrive $0xFFFF  }
0x8f: {  	p0 =	sne.s32 s0, $0x0;
	s0 =	rddreg [dreg:$0x2]  }
0x90: {  	s0 =	sadd.s32 @!p0 $0x100000, s0  }
0x91: {  	[sflag:s0] =	ssyncadd.tile.s32 @!p0 $0x1;
	_ =	shalt  }
.Lfunc_end2:
_tile_overlayer_lowered:
.L_overlay_start_2:
0x92: {  	(tag) =	ssettag $0x2  }
0x93: {  	s0 =	rddreg [dreg:$0x0];
	s2 =	stileid.u32  }
0x94: {  	s1 =	rddreg [dreg:$0x1];
	p0 =	sne.s32 s2, $0x0  }
0x95: {  	s3 =	rddreg [dreg:$0x2];
	[bflag:$0x3] =	sbarrier.arrive $0xFFFF;
	s2 =	simm.s32 @!p0 $0x1C09  }
0x96: {  	[timem:s3], [sflag:s2] =	dma.local @!p0 [hbm:s0], s1  }
0x97: {  	s0 =	simm.s32 @!p0 $0x9  }
0x98: {  	_ =	swait.ge @!p0 [sflag:s0], s1  }
0x99: {  	s1 =	ssub.s32 @!p0 $0x0, s1;
	[sflag:s0] =	ssyncset.done @!p0 $0x0  }
0x9a: {  	[sflag:s0] =	ssyncadd.s32 @!p0 s1  }
0x9b: {  	[bflag:$0x3] =	sbarrier.arrive $0xFFFF  }
0x9c: {  	_ =	shalt  }

// kernel: sparse-core-data-format-call.cloned.1.call-start
scs
called_computation_lowered:
.L_overlay_start_0:
0x0: {  	s2 =	sld [smem:$0x3FD9]  }
0x1: {  	s3 =	sld [smem:$0x3FFE];
	_ =	sdelay $0x1  }
0x2: {  	s1 =	srdreg.scid  }
0x3: {  	s0 =	sand.u32 $0x1, s1  }
0x4: {  	s18 =	sshll.u32 s0, $0xA;
	s2 =	sadd.s32 s3, s2  }
0x5: {  	s2 =	sadd.s32 s2, s18  }
0x6: {  	[smem:$0x3FC6] =	sst s2  }
0x7: {  	_ = 	snop  }
0x8: {  	s2 =	sld [smem:$0x3FD0];
	(tm) =	ssettm $0x1  }
0x9: {  	s19 =	sld [smem:$0x3FFB];
	_ =	sdelay $0x3  }
0xa: {  	_ =	strace s19  }
0xb: {  	s3 =	sld [smem:$0x3FFC];
	_ =	sdelay $0x3  }
0xc: {  	_ =	strace s3  }
0xd: {  	s3 =	sld [smem:$0x3FFD];
	_ =	sdelay $0x3  }
0xe: {  	_ =	strace s3  }
0xf: {  	_ =	strace $0x8FFFFFFF  }
0x10: {  	s20 =	sld [smem:$0x3FDB];
	_ =	sdelay $0x1  }
0x11: {  	s4 =	simm.s32 $_scs_section_size  }
0x12: {  	s5 =	simm.s32 $_size__tile_overlayer_lowered;
	s6 =	simm.s32 $_tile_overlayer_lowered  }
0x13: {  	s23 =	simm.s32 $0x1BFF;
	s22 =	sshll.u32 s6, $0x1;
	s3 =	sadd.s32 s4, s20  }
0x14: {  	s7 =	simm.s32 $0x0;
	s21 =	sshll.u32 s5, $0x1;
	s5 =	sadd.s32 s22, s3  }
0x15: {  	[timem:s7], [sflag:s23] =	dma.local [hbm:s5], s21  }
0x16: {  	_ =	swait.ge [sflag:s23], s21  }
0x17: {  	s4 =	ssub.s32 $0x0, s21;
	[sflag:s23] =	ssyncset.done $0x0  }
0x18: {  	[sflag:s23] =	ssyncadd.s32 s4;
	_ =	sdelay $0x1  }
0x19: {  	s24 =	simm.s32 $0x1B8B  }
0x1a: {  	_ =	swait.ge [sflag:s24], $0x1  }
0x1b: {  	[sflag:s24] =	ssyncset.done $0x0  }
0x1c: {  	s26 =	simm.s32 $0x1B8E;
	s25 =	sld [smem:$0x3FFE];
	[sflag:s24] =	ssyncadd.s32 $0xFFFFFFFF  }
0x1d: {  	s27 =	simm.s32 $execute0_lowered;
	[smem:$0x3FD2] =	sst s26  }
0x1e: {  	s5 =	sshll.u32 s27, $0x1;
	_ =	strace $0x80000049;
	[dreg:$0x1] =	wrdreg $0xFFFFFFFF  }
0x1f: {  	s28 =	simm.s32 $_size_execute0_lowered;
	s3 =	sadd.s32 s3, s5;
	[dreg:$0x0] =	wrdreg $0x0  }
0x20: {  	s5 =	sshll.u32 s28, $0x1;
	[dreg:$0x2] =	wrdreg s3  }
0x21: {  	[dreg:$0x3] =	wrdreg s5  }
0x22: {  	[dreg:$0x4] =	wrdreg $0xC0  }
0x23: {  	_ =	task [dreg:s7], $0x5FFFF  }
0x24: {  	[dreg:$0x1] =	wrdreg $0xFFFFFFFF  }
0x25: {  	[dreg:$0x0] =	wrdreg $0x60  }
0x26: {  	[dreg:$0x2] =	wrdreg s25  }
0x27: {  	[dreg:$0x3] =	wrdreg s2  }
0x28: {  	[dreg:$0x4] =	wrdreg $0x9  }
0x29: {  	_ =	task.clear_ibuf [dreg:s7], $0x5FFFF;
	_ =	strace $0x90000049  }
0x2a: {  	s29 =	simm.s32 $0x9;
	_ =	strace $0x8000004B  }
0x2b: {  	_ =	swait.ge [sflag:s29], $0x1  }
0x2c: {  	[sflag:s29] =	ssyncadd.s32 $0xFFFFFFFF  }
0x2d: {  	_ =	strace $0x9000004B  }
0x2e: {  	_ =	sfence  }
0x2f: {  	s30 =	sld [smem:$0x0];
	_ =	sdelay $0x2  }
0x30: {  	s31 =	sshll.u32 s1, $0xD;
	s1 =	sshrl.u32 s1, $0x2  }
0x31: {  	s3 =	sand.u32 $0x4000, s31;
	s1 =	sadd.s32 s1, s30  }
0x32: {  	s0 =	sor.u32 s3, s0;
	s1 =	sshll.u32 s1, $0x11  }
0x33: {  	s0 =	sor.u32 s1, s0  }
0x34: {  	s0 =	sadd.s32 $0x8F2B, s0  }
0x35: {  	[sflag:s0] =	ssyncadd.remote.s32 $0x1  }
0x36: {  	_ =	sfence.sel $0xFFFF  }
0x37: {  	[dreg:$0x0] =	wrdreg $0xFFFFFFFF;
	(pc) =	sbr.abs _section_cstart, $3  }
0x38: {  	[dreg:$0x1] =	wrdreg $0xFFFFFFFF  }
0x39: {  	_ =	task.clear_ibuf [dreg:s7], $0x2FFFF;
	_ =	strace $0x9FFFFFFF  }
0x3a: {  	(tm) =	ssettm $0x7FFFFFFF  }
0x3b: {  	_ =	shalt  }
tec
execute0_lowered:
.L_overlay_start_1:
0x0: {  	(tag) =	ssettag $0x1  }
0x1: {  	s0 =	srdreg.scid  }
0x2: {  	s1 =	sshll.u32 s0, $0x4  }
0x3: {  	s0 =	stileid.u32;
	s1 =	sand.u32 $0x10, s1  }
0x4: {  	s1 =	sor.u32 s0, s1  }
0x5: {  	s6 =	rddreg [dreg:$0x0];
	s4 =	simm.s32 $0x1;
	s2 =	sshll.u32 s1, $0x7  }
0x6: {  	s7 =	simm.s32 $0x2;
	s12 =	simm.s32 $0x0;
	s1 =	ssub.s32 $0x1000, s2  }
0x7: {  	s8 =	simm.s32 $0x8000;
	s13 =	simm.s32 $0x0;
	s3 =	sand.u32 $0xF80, s1  }
0x8: {  	s9 =	simm.s32 $0x0;
	s5 =	sshrl.u32 s1, $0xC;
	p0 =	sne.s32 s3, $0x0  }
.Ltmp0:
0x9: {  	s1 =	rddreg [dreg:$0x2];
	s4 =	simm.s32 @!p0 $0x0;
	(pc) =	sbr.rel .LBB1_1-.Ltmp0, $4  }
0xa: {  	s11 =	simm.s32 $0x0;
	s3 =	rddreg [dreg:$0x1];
	s5 =	sadd.s32 s4, s5  }
0xb: {  	_ =	strace $0x8000004A;
	s4 =	simm.s32 $0x1;
	s5 =	smul.u32 $0xC8, s5  }
0xc: {  	s6 =	sadd.s32 $0xA00, s6;
	s10 =	smov.u32 s2;
	[sflag:s4] =	ssyncpa.u1 $0x0  }
0xd: {  	p0 =	por $0x0, $0x0;
	[sflag:s7] =	ssyncpa.u1 $0x0;
	s7 =	sor.u32 $0x1, s5  }
.LBB1_4:
0xe: {  	s16 =	sshll.u32 s13, $0x3;
	s17 =	sand.u32 $0x78, s13  }
0xf: {  	s30 =	sand.u32 $0x7E00, s13;
	s12 =	sshll.u32 s12, $0xF;
	s16 =	sand.u32 $0xC00, s16  }
0x10: {  	[tilespmem:s15+$0x810 ss:$0x81] =	vst.msk $0xffff, v2;
	s31 =	sand.u32 $0x7, s13;
	s16 =	sor.u32 s17, s16;
	s17 =	sadd.s32 s3, s30  }
0x11: {  	[tilespmem:s15+$0x1020 ss:$0x81] =	vst.msk $0xffff, v0;
	s13 =	sshll.u32 s31, $0x12;
	s12 =	sadd.s32 s12, s17;
	s16 =	sshrl.u32 s16, $0x3  }
0x12: {  	[tilespmem:s15+$0x0 ss:$0x81] =	vst.msk $0xffff, v1;
	s13 =	sor.u32 $0x400, s13;
	s12 =	sadd.s32 s16, s12  }
0x13: {  	[hbm4b:s12+s13] =	stream.strided.scatter [tilespmem:s14], [sflag:$0x2], $0x2000, s8, s13, $0x20;
	[tilespmem:$0x8080] =	vst v63  }
.LBB1_5:
0x14: {  	s14 =	sadd.s32 $0x1, s9  }
0x15: {  	s12 =	sadd.s32 $0x1000, s10;
	s16 =	smov.u32 s10;
	p2 =	sgt.s32 s14, $0xC7  }
0x16: {  	s16 =	smov.u32 @p2 s12  }
0x17: {  	s14 =	simm.s32 @p2 $0x0;
	p2 =	sgt.s32 s16, $0xFFF  }
0x18: {  	s16 =	smov.u32 @p2 s2;
	p2 =	sne.s32 s11, s7  }
.Ltmp1:
0x19: {  	p1 =	slt.u32 s11, $0x2;
	(pc) =	sbr.rel @!p2 .LBB1_6-.Ltmp1, $4  }
0x1a: {  	s15 =	simm.s32 @!p1 $0x2  }
0x1b: {  	s13 =	smov.u32 s10;
	p0 =	por !p0, !p0;
	_ =	swait.ge @!p1 [sflag:s15], $0x2000  }
0x1c: {  	s12 =	smov.u32 s9;
	[sflag:s15] =	ssyncset.done @!p1 $0x0;
	s9 =	smov.u32 s14  }
0x1d: {  	s11 =	sadd.s32 $0x1, s11;
	[sflag:s15] =	ssyncadd.s32 @!p1 $0xFFFFE000;
	s10 =	smov.u32 s16  }
.LBB1_1:
0x1e: {  	p1 =	sge.u32 s11, s5  }
0x1f: {  	s14 =	sand.u32 @!p1 $0x1FFFFFF, s9  }
0x20: {  	s15 =	smulhi.u32 @!p1 $0x147AE15, s14;
	_ =	sdelay $0x1  }
0x21: {  	s15 =	smul.u32 @!p1 $0xC8, s15  }
0x22: {  	s16 =	sxor.u32 @!p1 $0xFFFFFFFF, s11;
	s17 =	smul.u32 @!p1 $0xC80, s10  }
0x23: {  	s31 =	sadd.s32 $0xFFFFFFFF, s11;
	s16 =	sshll.u32 @!p1 s16, $0xD;
	s14 =	ssub.s32 @!p1 s14, s15  }
0x24: {  	s15 =	sand.u32 @!p1 $0x2000, s16;
	s16 =	sadd.s32 @!p1 s6, s17;
	s14 =	sshll.u32 @!p1 s14, $0x4  }
0x25: {  	s17 =	simm.s32 @!p1 $0x6400;
	s14 =	sadd.s32 @!p1 s14, s16;
	s16 =	simm.s32 @!p1 $0x40  }
0x26: {  	[tilespmem:s15], [sflag:$0x1] =	stream.strided.gather @!p1 [hbm4b:s14+s16], $0x2000, s17, s16, $0x38;
	[tilespmem:$0x8080] =	vst v63  }
0x27: {  	p1 =	sge.u32 s31, s5  }
.Ltmp2:
0x28: {  	_ = 	snop;
	(pc) =	sbr.rel @p1 .LBB1_5-.Ltmp2, $1  }
0x29: {  	_ =	sdelay $0x3  }
0x2a: {  	s14 =	simm.s32 $0x1  }
0x2b: {  	_ =	swait.ge [sflag:s4], $0x2000;
	s14 =	simm.s32 @!p0 $0x0  }
0x2c: {  	[sflag:s4] =	ssyncset.done $0x0;
	s15 =	sshll.u32 s14, $0xD  }
0x2d: {  	[sflag:s4] =	ssyncadd.s32 $0xFFFFE000;
	s18 =	sor.u32 $0x20, s15  }
0x2e: {  	s14 =	smul.u32 $0x8100, s14;
	v3 =	vld [tilespmem:s18+$0x10]  }
0x2f: {  	s30 =	sand.u32 $0x1, s11;
	v2 =	vld [tilespmem:s18+$0xFFFFFFF0]  }
0x30: {  	s15 =	smul.u32 $0x8100, s30;
	s14 =	sshrl.u32 s14, $0x2;
	v0 =	vld [tilespmem:s18+$0x0]  }
0x31: {  	v1 =	vld [tilespmem:s18+$0xFFFFFFE0];
	s16 =	sor.u32 $0x4000, s14  }
0x32: {  	s31 =	sshrl.u32 s15, $0x2;
	s15 =	sadd.s32 $0x0, s16  }
0x33: {  	s17 =	simm.s32 $0x4;
	s18 =	sadd.s32 $0x40, s18;
	s14 =	sor.u32 $0x4000, s31;
	[tilespmem:s15+$0x1830 ss:$0x81] =	vst.msk $0xffff, v3  }
.LBB1_3:
0x34: {  	v3 =	vld [tilespmem:s18+$0x10];
	p1 =	sne.s32 s17, $0x1FC;
	[tilespmem:s15+$0x810 ss:$0x81] =	vst.msk $0xffff, v2;
	s19 =	smov.u32 s17;
	s17 =	sadd.s32 $0x4, s17  }
.Ltmp3:
0x35: {  	v2 =	vld [tilespmem:s18+$0xFFFFFFF0];
	[tilespmem:s15+$0x1020 ss:$0x81] =	vst.msk $0xffff, v0;
	(pc) =	sbr.rel @p1 .LBB1_3-.Ltmp3, $4  }
0x36: {  	v0 =	vld [tilespmem:s18+$0x0];
	[tilespmem:s15+$0x0 ss:$0x81] =	vst.msk $0xffff, v1  }
0x37: {  	s15 =	sshra.s32 s19, $0x2;
	v1 =	vld [tilespmem:s18+$0xFFFFFFE0]  }
0x38: {  	s15 =	sadd.s32 s15, s16  }
0x39: {  	s18 =	sadd.s32 $0x40, s18;
	[tilespmem:s15+$0x1830 ss:$0x81] =	vst.msk $0xffff, v3  }
.Ltmp4:
0x3a: {  	_ = 	snop;
	(pc) =	sbr.rel .LBB1_4-.Ltmp4, $1  }
0x3b: {  	_ =	sdelay $0x3  }
.LBB1_6:
0x3c: {  	_ =	sfence.sel $0x180000  }
0x3d: {  	s2 =	simm.s32 $0x1;
	[bflag:$0x0] =	sbarrier.arrive $0xFFFF  }
0x3e: {  	s31 =	simm.s32 $0x2;
	[sflag:s2] =	ssyncpa.u1 $0x1  }
0x3f: {  	[sflag:s31] =	ssyncpa.u1 $0x1  }
0x40: {  	p0 =	sne.s32 s0, $0x0;
	_ =	strace $0x9000004A  }
0x41: {  	s0 =	sadd.s32 @!p0 $0x100000, s1;
	[bflag:$0x2] =	sbarrier.arrive $0xFFFF  }
0x42: {  	[sflag:s0] =	ssyncadd.tile.s32 @!p0 $0x1;
	_ =	shalt  }
.Lfunc_end1:
_tile_overlayer_lowered:
.L_overlay_start_2:
0x43: {  	(tag) =	ssettag $0x2  }
0x44: {  	s0 =	rddreg [dreg:$0x0];
	s2 =	stileid.u32  }
0x45: {  	s1 =	rddreg [dreg:$0x1];
	p0 =	sne.s32 s2, $0x0  }
0x46: {  	s3 =	rddreg [dreg:$0x2];
	[bflag:$0x3] =	sbarrier.arrive $0xFFFF;
	s2 =	simm.s32 @!p0 $0x1C01  }
0x47: {  	[timem:s3], [sflag:s2] =	dma.local @!p0 [hbm:s0], s1  }
0x48: {  	s0 =	simm.s32 @!p0 $0x1  }
0x49: {  	_ =	swait.ge @!p0 [sflag:s0], s1  }
0x4a: {  	s1 =	ssub.s32 @!p0 $0x0, s1;
	[sflag:s0] =	ssyncset.done @!p0 $0x0  }
0x4b: {  	[sflag:s0] =	ssyncadd.s32 @!p0 s1  }
0x4c: {  	[bflag:$0x3] =	sbarrier.arrive $0xFFFF  }
0x4d: {  	_ =	shalt  }

</sc_bundles>
